<compile_context>
chip_gen: v7x
topology: tpu7x:2x2x1
jax: 0.10.2.dev20260603
libtpu: 0.0.44.dev20260713+nightly
codegen_flags: <defaults>
</compile_context>

<pallas_src>
import numpy as np
import jax
import jax.numpy as jnp
from jax import lax
from jax.experimental import pallas as pl
from jax.experimental.pallas import tpu as pltpu
from jax.experimental.pallas import tpu_sc as plsc


def _resize_matrix(in_size: int, out_size: int) -> np.ndarray:
    sample_f = (np.arange(out_size) + 0.5) * (in_size / out_size) - 0.5
    x = np.abs(sample_f[:, None] - np.arange(in_size)[None, :])
    w = np.maximum(0.0, 1.0 - x)
    w = w / w.sum(axis=1, keepdims=True)
    return w.astype(np.float32)


_L = 16


def _sc_indices(dat, B, Tl, Th, Tlp, Thp, Ttp):
    nl, nh, nt = Tlp // _L, Thp // _L, Ttp // _L
    hr0 = B * Tlp
    tg0 = B * (Tlp + Thp)

    mesh = plsc.VectorSubcoreMesh(core_axis_name="c", subcore_axis_name="s")
    nc = mesh.num_cores

    def body(dat_hbm, idx_hbm, d_v, tgt_v, eo_v, sem_d, sem_t):
        wid = lax.axis_index("s") * nc + lax.axis_index("c")

        def bcast(vec, k):
            idx = jnp.full((_L, 1), k, jnp.int32)
            return lax.gather(
                vec, idx,
                lax.GatherDimensionNumbers(offset_dims=(),
                                           collapsed_slice_dims=(0,),
                                           start_index_map=(0,)),
                slice_sizes=(1,),
                mode=lax.GatherScatterMode.PROMISE_IN_BOUNDS)

        def series(d0, nchunk, T, b, col0):
            cd = pltpu.make_async_copy(
                dat_hbm.at[pl.ds(d0 + b * nchunk * _L, nchunk * _L)],
                d_v.at[pl.ds(0, nchunk * _L)], sem_d)
            ct = pltpu.make_async_copy(dat_hbm.at[pl.ds(tg0, Ttp)], tgt_v, sem_t)
            cd.start()
            ct.start()
            cd.wait()
            ct.wait()
            one = jnp.full((_L,), 1, jnp.int32)
            zero = jnp.full((_L,), 0, jnp.int32)
            for ch in range(nt):
                t_vec = tgt_v[pl.ds(ch * _L, _L)]
                cnt = zero
                for dch in range(nchunk):
                    d_vec = d_v[pl.ds(dch * _L, _L)]
                    for k in range(min(_L, T - dch * _L)):
                        cnt = cnt + jnp.where(bcast(d_vec, k) < t_vec, one, zero)
                i1 = jnp.clip(cnt, 1, T - 1)
                i0 = i1 - 1
                even = jnp.where(jnp.bitwise_and(i0, 1) == 0, i0, i1)
                eo_v[pl.ds(ch * _L, _L)] = even
                eo_v[pl.ds(Ttp + ch * _L, _L)] = i0 + i1 - even
            pltpu.sync_copy(eo_v, idx_hbm.at[pl.ds(b * 4 * Ttp + col0, 2 * Ttp)])

        @pl.when(wid < B)
        def _():
            series(0, nl, Tl, wid, 0)

        @pl.when(jnp.logical_and(wid >= 8, wid < 8 + B))
        def _():
            series(hr0, nh, Th, wid - 8, 2 * Ttp)

    return pl.kernel(
        body,
        out_type=jax.ShapeDtypeStruct((B * 4 * Ttp,), jnp.int32),
        mesh=mesh,
        scratch_types=[
            pltpu.VMEM((max(Tlp, Thp),), jnp.int32),
            pltpu.VMEM((Ttp,), jnp.int32),
            pltpu.VMEM((2 * Ttp,), jnp.int32),
            pltpu.SemaphoreType.DMA,
            pltpu.SemaphoreType.DMA,
        ],
    )(dat)


def _fuse_kernel(idx_p, lr_doy_p, hr_doy_p, tgt_p,
                 lre_ref, lro_ref, hre_ref, hro_ref, m_ref,
                 out_lr_ref, out_hr_ref):
    b = pl.program_id(0)
    t = pl.program_id(1)
    tf = tgt_p[t].astype(jnp.float32)

    def weights(doy_p, col0):
        e = idx_p[b * 128 + col0 + t]
        o = idx_p[b * 128 + col0 + 32 + t]
        i0 = jnp.minimum(e, o)
        i1 = jnp.maximum(e, o)
        d0 = doy_p[b, i0].astype(jnp.float32)
        d1 = doy_p[b, i1].astype(jnp.float32)
        denom = jnp.where(d1 - d0 == 0.0, 1.0, d1 - d0)
        w = jnp.clip((tf - d0) / denom, 0.0, 1.0)
        c = e < o
        return jnp.where(c, 1.0 - w, w), jnp.where(c, w, 1.0 - w)

    whe, who = weights(hr_doy_p, 64)
    out_hr_ref[0, 0] = hre_ref[0, 0] * whe + hro_ref[0, 0] * who

    wle, wlo = weights(lr_doy_p, 0)
    lr = lre_ref[0, 0] * wle + lro_ref[0, 0] * wlo
    m = m_ref[...]
    a = lax.dot_general(lr, m, (((1,), (1,)), ((), ())),
                        preferred_element_type=jnp.float32)
    out = lax.dot_general(a, m, (((1,), (1,)), ((), ())),
                          preferred_element_type=jnp.float32)
    out_lr_ref[0, 0] = out


def kernel(lr_data, hr_data, lr_doy, hr_doy, target_doy):
    B, Tl, C, H, W = lr_data.shape
    _, Th, _, Hh, Wh = hr_data.shape
    Tt = target_doy.shape[0]
    Hout, Wout = Hh, Wh
    Tlp = ((Tl + _L - 1) // _L) * _L
    Thp = ((Th + _L - 1) // _L) * _L
    Ttp = ((Tt + _L - 1) // _L) * _L
    zero = jnp.int32(0)
    lr_pad = jnp.concatenate(
        [lr_doy, jnp.full((B, Tlp - Tl), zero, jnp.int32)], axis=1)
    hr_pad = jnp.concatenate(
        [hr_doy, jnp.full((B, Thp - Th), zero, jnp.int32)], axis=1)
    tgt_pad = jnp.concatenate(
        [target_doy, jnp.zeros((Ttp - Tt,), jnp.int32)])
    dat = jnp.concatenate(
        [lr_pad.reshape(-1), hr_pad.reshape(-1), tgt_pad])

    idx = _sc_indices(dat, B, Tl, Th, Tlp, Thp, Ttp)

    m = jnp.asarray(_resize_matrix(H, Hout))

    grid_spec = pltpu.PrefetchScalarGridSpec(
        num_scalar_prefetch=4,
        grid=(B, Tt),
        in_specs=[
            pl.BlockSpec((1, 1, C, H, W),
                         lambda b, t, ix, *_: (b, ix[b * 128 + t], 0, 0, 0)),
            pl.BlockSpec((1, 1, C, H, W),
                         lambda b, t, ix, *_: (b, ix[b * 128 + 32 + t], 0, 0, 0)),
            pl.BlockSpec((1, 1, C, Hh, Wh),
                         lambda b, t, ix, *_: (b, ix[b * 128 + 64 + t], 0, 0, 0)),
            pl.BlockSpec((1, 1, C, Hh, Wh),
                         lambda b, t, ix, *_: (b, ix[b * 128 + 96 + t], 0, 0, 0)),
            pl.BlockSpec((Hout, H), lambda *_: (0, 0)),
        ],
        out_specs=[
            pl.BlockSpec((1, 1, C, Hout, Wout), lambda b, t, *_: (b, t, 0, 0, 0)),
            pl.BlockSpec((1, 1, C, Hh, Wh), lambda b, t, *_: (b, t, 0, 0, 0)),
        ],
    )
    out_lr, out_hr = pl.pallas_call(
        _fuse_kernel,
        grid_spec=grid_spec,
        out_shape=[
            jax.ShapeDtypeStruct((B, Tt, C, Hout, Wout), jnp.float32),
            jax.ShapeDtypeStruct((B, Tt, C, Hh, Wh), jnp.float32),
        ],
    )(idx, lr_doy, hr_doy, target_doy,
      lr_data, lr_data, hr_data, hr_data, m)

    return (out_lr, out_hr)

# --- scband reference (transcript-rebuilt; emitter-appended) ---
"""Pipeline reference for scband-naive-sitsfusion-25039659336285 (READ-ONLY COPY).

The authoritative reference and input builder live on the scoring server;
editing this copy changes nothing except your own understanding.
"""

import jax, jax.numpy as jnp
import numpy as np

UPSAMPLING_FACTOR = 4.0


def _gapfill_one(values, dates, target):
    # values: [T, C, H, W], dates: [T] (sorted), target: [Tt]
    d = dates.astype(jnp.float32)
    t = target.astype(jnp.float32)
    T = d.shape[0]
    idx = jnp.searchsorted(d, t, side='left')
    i1 = jnp.clip(idx, 1, T - 1)
    i0 = i1 - 1
    d0 = d[i0]
    d1 = d[i1]
    denom = jnp.where(d1 - d0 == 0, 1.0, d1 - d0)
    w = jnp.clip((t - d0) / denom, 0.0, 1.0)  # clamp => nearest-edge extrapolation
    v0 = values[i0]  # gather [Tt, C, H, W]
    v1 = values[i1]
    w = w[:, None, None, None]
    return v0 * (1.0 - w) + v1 * w


def linear_gapfilling(data, doy, target_doy):
    # data: [B, T, C, H, W], doy: [B, T], target_doy: [Tt]
    return jax.vmap(_gapfill_one, in_axes=(0, 0, None))(data, doy, target_doy)


def datewise_upsample(data, factor):
    # bilinear spatial upsampling applied date-wise (model=None => identity + resize)
    B, Tt, C, H, W = data.shape
    Hf = int(round(H * factor))
    Wf = int(round(W * factor))
    return jax.image.resize(data, (B, Tt, C, Hf, Wf), method='bilinear')


def setup_inputs(seed: int = 0) -> dict:
    key = jax.random.key(seed)
    k1, k2, k3, k4, k5 = jax.random.split(key, 5)
    lr_data = jax.random.normal(k1, (4, 12, 4, 48, 48), dtype=jnp.float32)
    hr_data = jax.random.normal(k2, (4, 24, 4, 192, 192), dtype=jnp.float32)
    lr_doy = jnp.sort(jax.random.randint(k3, (4, 12), 0, 365, dtype=jnp.int64 if jax.config.read('jax_enable_x64') else jnp.int32).astype(jnp.int32), axis=1)
    hr_doy = jnp.sort(jax.random.randint(k4, (4, 24), 0, 365, dtype=jnp.int32), axis=1)
    target_doy = jnp.sort(jax.random.randint(k5, (20,), 0, 365, dtype=jnp.int32))
    return {
        'lr_data': lr_data,
        'hr_data': hr_data,
        'lr_doy': lr_doy,
        'hr_doy': hr_doy,
        'target_doy': target_doy,
    }


def reference(lr_data, hr_data, lr_doy, hr_doy, target_doy):
    # lr_sits.doy.shape[1] = 12 > 1 and hr_sits.doy.shape[1] = 24 > 1,
    # so both branches are active; target_doy is provided explicitly.
    lr_sits_interp = linear_gapfilling(lr_data, lr_doy, target_doy)
    hr_sits_interp = linear_gapfilling(hr_data, hr_doy, target_doy)
    lr_sits_interp_up = datewise_upsample(lr_sits_interp, UPSAMPLING_FACTOR)
    return (lr_sits_interp_up, hr_sits_interp)

if __name__ == "__main__":
    import jax
    _d = setup_inputs()
    print(jax.jit(kernel)(*tuple(_d.values())))

</pallas_src>

<mosaic_0001>
#map = affine_map<(d0, d1) -> (0)>
module attributes {stable_mosaic.version = 14 : i64} {
  func.func @body(%arg0: i32, %arg1: i32, %arg2: memref<224xi32, #tpu.memory_space<hbm>>, %arg3: memref<512xi32, #tpu.memory_space<hbm>>, %arg4: memref<32xi32, #tpu.memory_space<vmem>>, %arg5: memref<32xi32, #tpu.memory_space<vmem>>, %arg6: memref<64xi32, #tpu.memory_space<vmem>>, %arg7: memref<!tpu.dma_semaphore, #tpu.memory_space<semaphore_mem>>, %arg8: memref<!tpu.dma_semaphore, #tpu.memory_space<semaphore_mem>>) attributes {dimension_semantics = [#tpu.dimension_semantics<core_parallel>, #tpu.dimension_semantics<subcore_parallel>], iteration_bounds = array<i64: 2, 16>, scalar_prefetch = 0 : i64, scratch_operands = 5 : i64, tpu.core_type = #tpu.core_type<sc_vector_subcore>, window_params = [{transform_indices = #map}, {transform_indices = #map}]} {
    %mul3A = arith.constant 2 : i32
    %mul3A_0 = arith.muli %arg1, %mul3A : i32
    %add3A = arith.addi %mul3A_0, %arg0 : i32
    %lt3A = arith.constant 4 : i32
    %lt3A_1 = arith.cmpi slt, %add3A, %lt3A : i32
    %convert_element_type3A = arith.extui %lt3A_1 : i1 to i32
    %cond3A = arith.constant 0 : i32
    %cond3A_2 = arith.cmpi ne, %convert_element_type3A, %cond3A : i32
    scf.if %cond3A_2 {
      %mul3A_9 = arith.constant 1 : i32
      %mul3A_10 = arith.muli %add3A, %mul3A_9 : i32
      %mul3A_11 = arith.constant 16 : i32
      %mul3A_12 = arith.muli %mul3A_10, %mul3A_11 : i32
      %add3A_13 = arith.constant 0 : i32
      %add3A_14 = arith.addi %add3A_13, %mul3A_12 : i32
      %dma_start3A = arith.constant 0 : i32
      %dma_start3A_15 = tpu.memref_slice %arg4[%dma_start3A] : memref<32xi32, #tpu.memory_space<vmem>> -> memref<16xi32, #tpu.memory_space<vmem>>
      %dma_start3A_16 = tpu.memref_slice %arg2[%add3A_14] : memref<224xi32, #tpu.memory_space<hbm>> -> memref<16xi32, #tpu.memory_space<hbm>>
      %dma_start3A_17 = arith.constant 0 : i32
      %dma_start3A_18 = tpu.memref_slice %arg4[%dma_start3A_17] : memref<32xi32, #tpu.memory_space<vmem>> -> memref<16xi32, #tpu.memory_space<vmem>>
      %dma_start3A_19 = tpu.memref_slice %arg2[%add3A_14] : memref<224xi32, #tpu.memory_space<hbm>> -> memref<16xi32, #tpu.memory_space<hbm>>
      tpu.enqueue_dma source(%dma_start3A_19 : memref<16xi32, #tpu.memory_space<hbm>>) target(%dma_start3A_18 : memref<16xi32, #tpu.memory_space<vmem>>) target_semaphore(%arg7 : memref<!tpu.dma_semaphore, #tpu.memory_space<semaphore_mem>>)
      %dma_start3A_20 = arith.constant 192 : i32
      %dma_start3A_21 = tpu.memref_slice %arg2[%dma_start3A_20] : memref<224xi32, #tpu.memory_space<hbm>> -> memref<32xi32, #tpu.memory_space<hbm>>
      %dma_start3A_22 = arith.constant 192 : i32
      %dma_start3A_23 = tpu.memref_slice %arg2[%dma_start3A_22] : memref<224xi32, #tpu.memory_space<hbm>> -> memref<32xi32, #tpu.memory_space<hbm>>
      tpu.enqueue_dma source(%dma_start3A_23 : memref<32xi32, #tpu.memory_space<hbm>>) target(%arg5 : memref<32xi32, #tpu.memory_space<vmem>>) target_semaphore(%arg8 : memref<!tpu.dma_semaphore, #tpu.memory_space<semaphore_mem>>)
      %dma_wait3A = arith.constant 0 : i32
      %dma_wait3A_24 = tpu.memref_slice %arg4[%dma_wait3A] : memref<32xi32, #tpu.memory_space<vmem>> -> memref<16xi32, #tpu.memory_space<vmem>>
      %dma_wait3A_25 = tpu.memref_slice %arg2[%add3A_14] : memref<224xi32, #tpu.memory_space<hbm>> -> memref<16xi32, #tpu.memory_space<hbm>>
      %dma_wait3A_26 = arith.constant 0 : i32
      %dma_wait3A_27 = tpu.memref_slice %arg4[%dma_wait3A_26] : memref<32xi32, #tpu.memory_space<vmem>> -> memref<16xi32, #tpu.memory_space<vmem>>
      %dma_wait3A_28 = tpu.memref_slice %arg2[%add3A_14] : memref<224xi32, #tpu.memory_space<hbm>> -> memref<16xi32, #tpu.memory_space<hbm>>
      tpu.wait_dma2 semaphore(%arg7 : memref<!tpu.dma_semaphore, #tpu.memory_space<semaphore_mem>>) src(%dma_wait3A_28 : memref<16xi32, #tpu.memory_space<hbm>>) dst(%dma_wait3A_27 : memref<16xi32, #tpu.memory_space<vmem>>)
      %dma_wait3A_29 = arith.constant 192 : i32
      %dma_wait3A_30 = tpu.memref_slice %arg2[%dma_wait3A_29] : memref<224xi32, #tpu.memory_space<hbm>> -> memref<32xi32, #tpu.memory_space<hbm>>
      %dma_wait3A_31 = arith.constant 192 : i32
      %dma_wait3A_32 = tpu.memref_slice %arg2[%dma_wait3A_31] : memref<224xi32, #tpu.memory_space<hbm>> -> memref<32xi32, #tpu.memory_space<hbm>>
      tpu.wait_dma2 semaphore(%arg8 : memref<!tpu.dma_semaphore, #tpu.memory_space<semaphore_mem>>) src(%dma_wait3A_32 : memref<32xi32, #tpu.memory_space<hbm>>) dst(%arg5 : memref<32xi32, #tpu.memory_space<vmem>>)
      %broadcast_in_dim3A = arith.constant 1 : i32
      %broadcast_in_dim3A_33 = vector.broadcast %broadcast_in_dim3A : i32 to vector<16xi32>
      %broadcast_in_dim3A_34 = arith.constant 0 : i32
      %broadcast_in_dim3A_35 = vector.broadcast %broadcast_in_dim3A_34 : i32 to vector<16xi32>
      %get3A = arith.constant 0 : index
      %get3A_36 = tpu.vector_load %arg5[%get3A] {strides = array<i32>} : memref<32xi32, #tpu.memory_space<vmem>>, vector<16xi32>,
      %get3A_37 = vector.shape_cast %get3A_36 : vector<16xi32> to vector<16xi32>
      %get3A_38 = arith.constant 0 : index
      %get3A_39 = tpu.vector_load %arg4[%get3A_38] {strides = array<i32>} : memref<32xi32, #tpu.memory_space<vmem>>, vector<16xi32>,
      %get3A_40 = vector.shape_cast %get3A_39 : vector<16xi32> to vector<16xi32>
      %broadcast_in_dim3A_41 = arith.constant 0 : i32
      %broadcast_in_dim3A_42 = vector.broadcast %broadcast_in_dim3A_41 : i32 to vector<16x1xi32>
      %gather3A = vector.shape_cast %broadcast_in_dim3A_42 : vector<16x1xi32> to vector<16xi32>
      %gather3A_43 = tpu.dynamic_gather %get3A_40[%gather3A] in [0] : vector<16xi32>, vector<16xi32> -> vector<16xi32>
      %lt3A_44 = arith.cmpi slt, %gather3A_43, %get3A_37 : vector<16xi32>
      %select_n3A = arith.select %lt3A_44, %broadcast_in_dim3A_33, %broadcast_in_dim3A_35 : vector<16xi1>, vector<16xi32>
      %add3A_45 = arith.addi %broadcast_in_dim3A_35, %select_n3A : vector<16xi32>
      %broadcast_in_dim3A_46 = arith.constant 1 : i32
      %broadcast_in_dim3A_47 = vector.broadcast %broadcast_in_dim3A_46 : i32 to vector<16x1xi32>
      %gather3A_48 = vector.shape_cast %broadcast_in_dim3A_47 : vector<16x1xi32> to vector<16xi32>
      %gather3A_49 = tpu.dynamic_gather %get3A_40[%gather3A_48] in [0] : vector<16xi32>, vector<16xi32> -> vector<16xi32>
      %lt3A_50 = arith.cmpi slt, %gather3A_49, %get3A_37 : vector<16xi32>
      %select_n3A_51 = arith.select %lt3A_50, %broadcast_in_dim3A_33, %broadcast_in_dim3A_35 : vector<16xi1>, vector<16xi32>
      %add3A_52 = arith.addi %add3A_45, %select_n3A_51 : vector<16xi32>
      %broadcast_in_dim3A_53 = arith.constant 2 : i32
      %broadcast_in_dim3A_54 = vector.broadcast %broadcast_in_dim3A_53 : i32 to vector<16x1xi32>
      %gather3A_55 = vector.shape_cast %broadcast_in_dim3A_54 : vector<16x1xi32> to vector<16xi32>
      %gather3A_56 = tpu.dynamic_gather %get3A_40[%gather3A_55] in [0] : vector<16xi32>, vector<16xi32> -> vector<16xi32>
      %lt3A_57 = arith.cmpi slt, %gather3A_56, %get3A_37 : vector<16xi32>
      %select_n3A_58 = arith.select %lt3A_57, %broadcast_in_dim3A_33, %broadcast_in_dim3A_35 : vector<16xi1>, vector<16xi32>
      %add3A_59 = arith.addi %add3A_52, %select_n3A_58 : vector<16xi32>
      %broadcast_in_dim3A_60 = arith.constant 3 : i32
      %broadcast_in_dim3A_61 = vector.broadcast %broadcast_in_dim3A_60 : i32 to vector<16x1xi32>
      %gather3A_62 = vector.shape_cast %broadcast_in_dim3A_61 : vector<16x1xi32> to vector<16xi32>
      %gather3A_63 = tpu.dynamic_gather %get3A_40[%gather3A_62] in [0] : vector<16xi32>, vector<16xi32> -> vector<16xi32>
      %lt3A_64 = arith.cmpi slt, %gather3A_63, %get3A_37 : vector<16xi32>
      %select_n3A_65 = arith.select %lt3A_64, %broadcast_in_dim3A_33, %broadcast_in_dim3A_35 : vector<16xi1>, vector<16xi32>
      %add3A_66 = arith.addi %add3A_59, %select_n3A_65 : vector<16xi32>
      %broadcast_in_dim3A_67 = arith.constant 4 : i32
      %broadcast_in_dim3A_68 = vector.broadcast %broadcast_in_dim3A_67 : i32 to vector<16x1xi32>
      %gather3A_69 = vector.shape_cast %broadcast_in_dim3A_68 : vector<16x1xi32> to vector<16xi32>
      %gather3A_70 = tpu.dynamic_gather %get3A_40[%gather3A_69] in [0] : vector<16xi32>, vector<16xi32> -> vector<16xi32>
      %lt3A_71 = arith.cmpi slt, %gather3A_70, %get3A_37 : vector<16xi32>
      %select_n3A_72 = arith.select %lt3A_71, %broadcast_in_dim3A_33, %broadcast_in_dim3A_35 : vector<16xi1>, vector<16xi32>
      %add3A_73 = arith.addi %add3A_66, %select_n3A_72 : vector<16xi32>
      %broadcast_in_dim3A_74 = arith.constant 5 : i32
      %broadcast_in_dim3A_75 = vector.broadcast %broadcast_in_dim3A_74 : i32 to vector<16x1xi32>
      %gather3A_76 = vector.shape_cast %broadcast_in_dim3A_75 : vector<16x1xi32> to vector<16xi32>
      %gather3A_77 = tpu.dynamic_gather %get3A_40[%gather3A_76] in [0] : vector<16xi32>, vector<16xi32> -> vector<16xi32>
      %lt3A_78 = arith.cmpi slt, %gather3A_77, %get3A_37 : vector<16xi32>
      %select_n3A_79 = arith.select %lt3A_78, %broadcast_in_dim3A_33, %broadcast_in_dim3A_35 : vector<16xi1>, vector<16xi32>
      %add3A_80 = arith.addi %add3A_73, %select_n3A_79 : vector<16xi32>
      %broadcast_in_dim3A_81 = arith.constant 6 : i32
      %broadcast_in_dim3A_82 = vector.broadcast %broadcast_in_dim3A_81 : i32 to vector<16x1xi32>
      %gather3A_83 = vector.shape_cast %broadcast_in_dim3A_82 : vector<16x1xi32> to vector<16xi32>
      %gather3A_84 = tpu.dynamic_gather %get3A_40[%gather3A_83] in [0] : vector<16xi32>, vector<16xi32> -> vector<16xi32>
      %lt3A_85 = arith.cmpi slt, %gather3A_84, %get3A_37 : vector<16xi32>
      %select_n3A_86 = arith.select %lt3A_85, %broadcast_in_dim3A_33, %broadcast_in_dim3A_35 : vector<16xi1>, vector<16xi32>
      %add3A_87 = arith.addi %add3A_80, %select_n3A_86 : vector<16xi32>
      %broadcast_in_dim3A_88 = arith.constant 7 : i32
      %broadcast_in_dim3A_89 = vector.broadcast %broadcast_in_dim3A_88 : i32 to vector<16x1xi32>
      %gather3A_90 = vector.shape_cast %broadcast_in_dim3A_89 : vector<16x1xi32> to vector<16xi32>
      %gather3A_91 = tpu.dynamic_gather %get3A_40[%gather3A_90] in [0] : vector<16xi32>, vector<16xi32> -> vector<16xi32>
      %lt3A_92 = arith.cmpi slt, %gather3A_91, %get3A_37 : vector<16xi32>
      %select_n3A_93 = arith.select %lt3A_92, %broadcast_in_dim3A_33, %broadcast_in_dim3A_35 : vector<16xi1>, vector<16xi32>
      %add3A_94 = arith.addi %add3A_87, %select_n3A_93 : vector<16xi32>
      %broadcast_in_dim3A_95 = arith.constant 8 : i32
      %broadcast_in_dim3A_96 = vector.broadcast %broadcast_in_dim3A_95 : i32 to vector<16x1xi32>
      %gather3A_97 = vector.shape_cast %broadcast_in_dim3A_96 : vector<16x1xi32> to vector<16xi32>
      %gather3A_98 = tpu.dynamic_gather %get3A_40[%gather3A_97] in [0] : vector<16xi32>, vector<16xi32> -> vector<16xi32>
      %lt3A_99 = arith.cmpi slt, %gather3A_98, %get3A_37 : vector<16xi32>
      %select_n3A_100 = arith.select %lt3A_99, %broadcast_in_dim3A_33, %broadcast_in_dim3A_35 : vector<16xi1>, vector<16xi32>
      %add3A_101 = arith.addi %add3A_94, %select_n3A_100 : vector<16xi32>
      %broadcast_in_dim3A_102 = arith.constant 9 : i32
      %broadcast_in_dim3A_103 = vector.broadcast %broadcast_in_dim3A_102 : i32 to vector<16x1xi32>
      %gather3A_104 = vector.shape_cast %broadcast_in_dim3A_103 : vector<16x1xi32> to vector<16xi32>
      %gather3A_105 = tpu.dynamic_gather %get3A_40[%gather3A_104] in [0] : vector<16xi32>, vector<16xi32> -> vector<16xi32>
      %lt3A_106 = arith.cmpi slt, %gather3A_105, %get3A_37 : vector<16xi32>
      %select_n3A_107 = arith.select %lt3A_106, %broadcast_in_dim3A_33, %broadcast_in_dim3A_35 : vector<16xi1>, vector<16xi32>
      %add3A_108 = arith.addi %add3A_101, %select_n3A_107 : vector<16xi32>
      %broadcast_in_dim3A_109 = arith.constant 10 : i32
      %broadcast_in_dim3A_110 = vector.broadcast %broadcast_in_dim3A_109 : i32 to vector<16x1xi32>
      %gather3A_111 = vector.shape_cast %broadcast_in_dim3A_110 : vector<16x1xi32> to vector<16xi32>
      %gather3A_112 = tpu.dynamic_gather %get3A_40[%gather3A_111] in [0] : vector<16xi32>, vector<16xi32> -> vector<16xi32>
      %lt3A_113 = arith.cmpi slt, %gather3A_112, %get3A_37 : vector<16xi32>
      %select_n3A_114 = arith.select %lt3A_113, %broadcast_in_dim3A_33, %broadcast_in_dim3A_35 : vector<16xi1>, vector<16xi32>
      %add3A_115 = arith.addi %add3A_108, %select_n3A_114 : vector<16xi32>
      %broadcast_in_dim3A_116 = arith.constant 11 : i32
      %broadcast_in_dim3A_117 = vector.broadcast %broadcast_in_dim3A_116 : i32 to vector<16x1xi32>
      %gather3A_118 = vector.shape_cast %broadcast_in_dim3A_117 : vector<16x1xi32> to vector<16xi32>
      %gather3A_119 = tpu.dynamic_gather %get3A_40[%gather3A_118] in [0] : vector<16xi32>, vector<16xi32> -> vector<16xi32>
      %lt3A_120 = arith.cmpi slt, %gather3A_119, %get3A_37 : vector<16xi32>
      %select_n3A_121 = arith.select %lt3A_120, %broadcast_in_dim3A_33, %broadcast_in_dim3A_35 : vector<16xi1>, vector<16xi32>
      %add3A_122 = arith.addi %add3A_115, %select_n3A_121 : vector<16xi32>
      %jit3A = arith.constant 1 : i32
      %jit3A_123 = arith.constant 11 : i32
      %max3A = vector.broadcast %jit3A : i32 to vector<16xi32>
      %max3A_124 = arith.maxsi %max3A, %add3A_122 : vector<16xi32>
      %min3A = vector.broadcast %jit3A_123 : i32 to vector<16xi32>
      %min3A_125 = arith.minsi %min3A, %max3A_124 : vector<16xi32>
      %sub3A = arith.constant 1 : i32
      %sub3A_126 = vector.broadcast %sub3A : i32 to vector<16xi32>
      %sub3A_127 = arith.subi %min3A_125, %sub3A_126 : vector<16xi32>
      %and3A_128 = arith.constant 1 : i32
      %and3A_129 = vector.broadcast %and3A_128 : i32 to vector<16xi32>
      %and3A_130 = arith.andi %sub3A_127, %and3A_129 : vector<16xi32>
      %eq3A = arith.constant 0 : i32
      %eq3A_131 = vector.broadcast %eq3A : i32 to vector<16xi32>
      %eq3A_132 = arith.cmpi eq, %and3A_130, %eq3A_131 : vector<16xi32>
      %select_n3A_133 = arith.select %eq3A_132, %sub3A_127, %min3A_125 : vector<16xi1>, vector<16xi32>
      %swap3A = arith.constant 0 : index
      %swap3A_134 = tpu.vector_load %arg6[%swap3A] {strides = array<i32>} : memref<64xi32, #tpu.memory_space<vmem>>, vector<16xi32>,
      %swap3A_135 = vector.shape_cast %swap3A_134 : vector<16xi32> to vector<16xi32>
      %swap3A_136 = vector.shape_cast %select_n3A_133 : vector<16xi32> to vector<16xi32>
      tpu.vector_store %arg6[%swap3A], %swap3A_136 {strides = array<i32>} : memref<64xi32, #tpu.memory_space<vmem>>, vector<16xi32>,
      %add3A_137 = arith.addi %sub3A_127, %min3A_125 : vector<16xi32>
      %sub3A_138 = arith.subi %add3A_137, %select_n3A_133 : vector<16xi32>
      %swap3A_139 = arith.constant 32 : index
      %swap3A_140 = tpu.vector_load %arg6[%swap3A_139] {strides = array<i32>} : memref<64xi32, #tpu.memory_space<vmem>>, vector<16xi32>,
      %swap3A_141 = vector.shape_cast %swap3A_140 : vector<16xi32> to vector<16xi32>
      %swap3A_142 = vector.shape_cast %sub3A_138 : vector<16xi32> to vector<16xi32>
      tpu.vector_store %arg6[%swap3A_139], %swap3A_142 {strides = array<i32>} : memref<64xi32, #tpu.memory_space<vmem>>, vector<16xi32>,
      %get3A_143 = arith.constant 16 : index
      %get3A_144 = tpu.vector_load %arg5[%get3A_143] {strides = array<i32>} : memref<32xi32, #tpu.memory_space<vmem>>, vector<16xi32>,
      %get3A_145 = vector.shape_cast %get3A_144 : vector<16xi32> to vector<16xi32>
      %get3A_146 = arith.constant 0 : index
      %get3A_147 = tpu.vector_load %arg4[%get3A_146] {strides = array<i32>} : memref<32xi32, #tpu.memory_space<vmem>>, vector<16xi32>,
      %get3A_148 = vector.shape_cast %get3A_147 : vector<16xi32> to vector<16xi32>
      %broadcast_in_dim3A_149 = arith.constant 0 : i32
      %broadcast_in_dim3A_150 = vector.broadcast %broadcast_in_dim3A_149 : i32 to vector<16x1xi32>
      %gather3A_151 = vector.shape_cast %broadcast_in_dim3A_150 : vector<16x1xi32> to vector<16xi32>
      %gather3A_152 = tpu.dynamic_gather %get3A_148[%gather3A_151] in [0] : vector<16xi32>, vector<16xi32> -> vector<16xi32>
      %lt3A_153 = arith.cmpi slt, %gather3A_152, %get3A_145 : vector<16xi32>
      %select_n3A_154 = arith.select %lt3A_153, %broadcast_in_dim3A_33, %broadcast_in_dim3A_35 : vector<16xi1>, vector<16xi32>
      %add3A_155 = arith.addi %broadcast_in_dim3A_35, %select_n3A_154 : vector<16xi32>
      %broadcast_in_dim3A_156 = arith.constant 1 : i32
      %broadcast_in_dim3A_157 = vector.broadcast %broadcast_in_dim3A_156 : i32 to vector<16x1xi32>
      %gather3A_158 = vector.shape_cast %broadcast_in_dim3A_157 : vector<16x1xi32> to vector<16xi32>
      %gather3A_159 = tpu.dynamic_gather %get3A_148[%gather3A_158] in [0] : vector<16xi32>, vector<16xi32> -> vector<16xi32>
      %lt3A_160 = arith.cmpi slt, %gather3A_159, %get3A_145 : vector<16xi32>
      %select_n3A_161 = arith.select %lt3A_160, %broadcast_in_dim3A_33, %broadcast_in_dim3A_35 : vector<16xi1>, vector<16xi32>
      %add3A_162 = arith.addi %add3A_155, %select_n3A_161 : vector<16xi32>
      %broadcast_in_dim3A_163 = arith.constant 2 : i32
      %broadcast_in_dim3A_164 = vector.broadcast %broadcast_in_dim3A_163 : i32 to vector<16x1xi32>
      %gather3A_165 = vector.shape_cast %broadcast_in_dim3A_164 : vector<16x1xi32> to vector<16xi32>
      %gather3A_166 = tpu.dynamic_gather %get3A_148[%gather3A_165] in [0] : vector<16xi32>, vector<16xi32> -> vector<16xi32>
      %lt3A_167 = arith.cmpi slt, %gather3A_166, %get3A_145 : vector<16xi32>
      %select_n3A_168 = arith.select %lt3A_167, %broadcast_in_dim3A_33, %broadcast_in_dim3A_35 : vector<16xi1>, vector<16xi32>
      %add3A_169 = arith.addi %add3A_162, %select_n3A_168 : vector<16xi32>
      %broadcast_in_dim3A_170 = arith.constant 3 : i32
      %broadcast_in_dim3A_171 = vector.broadcast %broadcast_in_dim3A_170 : i32 to vector<16x1xi32>
      %gather3A_172 = vector.shape_cast %broadcast_in_dim3A_171 : vector<16x1xi32> to vector<16xi32>
      %gather3A_173 = tpu.dynamic_gather %get3A_148[%gather3A_172] in [0] : vector<16xi32>, vector<16xi32> -> vector<16xi32>
      %lt3A_174 = arith.cmpi slt, %gather3A_173, %get3A_145 : vector<16xi32>
      %select_n3A_175 = arith.select %lt3A_174, %broadcast_in_dim3A_33, %broadcast_in_dim3A_35 : vector<16xi1>, vector<16xi32>
      %add3A_176 = arith.addi %add3A_169, %select_n3A_175 : vector<16xi32>
      %broadcast_in_dim3A_177 = arith.constant 4 : i32
      %broadcast_in_dim3A_178 = vector.broadcast %broadcast_in_dim3A_177 : i32 to vector<16x1xi32>
      %gather3A_179 = vector.shape_cast %broadcast_in_dim3A_178 : vector<16x1xi32> to vector<16xi32>
      %gather3A_180 = tpu.dynamic_gather %get3A_148[%gather3A_179] in [0] : vector<16xi32>, vector<16xi32> -> vector<16xi32>
      %lt3A_181 = arith.cmpi slt, %gather3A_180, %get3A_145 : vector<16xi32>
      %select_n3A_182 = arith.select %lt3A_181, %broadcast_in_dim3A_33, %broadcast_in_dim3A_35 : vector<16xi1>, vector<16xi32>
      %add3A_183 = arith.addi %add3A_176, %select_n3A_182 : vector<16xi32>
      %broadcast_in_dim3A_184 = arith.constant 5 : i32
      %broadcast_in_dim3A_185 = vector.broadcast %broadcast_in_dim3A_184 : i32 to vector<16x1xi32>
      %gather3A_186 = vector.shape_cast %broadcast_in_dim3A_185 : vector<16x1xi32> to vector<16xi32>
      %gather3A_187 = tpu.dynamic_gather %get3A_148[%gather3A_186] in [0] : vector<16xi32>, vector<16xi32> -> vector<16xi32>
      %lt3A_188 = arith.cmpi slt, %gather3A_187, %get3A_145 : vector<16xi32>
      %select_n3A_189 = arith.select %lt3A_188, %broadcast_in_dim3A_33, %broadcast_in_dim3A_35 : vector<16xi1>, vector<16xi32>
      %add3A_190 = arith.addi %add3A_183, %select_n3A_189 : vector<16xi32>
      %broadcast_in_dim3A_191 = arith.constant 6 : i32
      %broadcast_in_dim3A_192 = vector.broadcast %broadcast_in_dim3A_191 : i32 to vector<16x1xi32>
      %gather3A_193 = vector.shape_cast %broadcast_in_dim3A_192 : vector<16x1xi32> to vector<16xi32>
      %gather3A_194 = tpu.dynamic_gather %get3A_148[%gather3A_193] in [0] : vector<16xi32>, vector<16xi32> -> vector<16xi32>
      %lt3A_195 = arith.cmpi slt, %gather3A_194, %get3A_145 : vector<16xi32>
      %select_n3A_196 = arith.select %lt3A_195, %broadcast_in_dim3A_33, %broadcast_in_dim3A_35 : vector<16xi1>, vector<16xi32>
      %add3A_197 = arith.addi %add3A_190, %select_n3A_196 : vector<16xi32>
      %broadcast_in_dim3A_198 = arith.constant 7 : i32
      %broadcast_in_dim3A_199 = vector.broadcast %broadcast_in_dim3A_198 : i32 to vector<16x1xi32>
      %gather3A_200 = vector.shape_cast %broadcast_in_dim3A_199 : vector<16x1xi32> to vector<16xi32>
      %gather3A_201 = tpu.dynamic_gather %get3A_148[%gather3A_200] in [0] : vector<16xi32>, vector<16xi32> -> vector<16xi32>
      %lt3A_202 = arith.cmpi slt, %gather3A_201, %get3A_145 : vector<16xi32>
      %select_n3A_203 = arith.select %lt3A_202, %broadcast_in_dim3A_33, %broadcast_in_dim3A_35 : vector<16xi1>, vector<16xi32>
      %add3A_204 = arith.addi %add3A_197, %select_n3A_203 : vector<16xi32>
      %broadcast_in_dim3A_205 = arith.constant 8 : i32
      %broadcast_in_dim3A_206 = vector.broadcast %broadcast_in_dim3A_205 : i32 to vector<16x1xi32>
      %gather3A_207 = vector.shape_cast %broadcast_in_dim3A_206 : vector<16x1xi32> to vector<16xi32>
      %gather3A_208 = tpu.dynamic_gather %get3A_148[%gather3A_207] in [0] : vector<16xi32>, vector<16xi32> -> vector<16xi32>
      %lt3A_209 = arith.cmpi slt, %gather3A_208, %get3A_145 : vector<16xi32>
      %select_n3A_210 = arith.select %lt3A_209, %broadcast_in_dim3A_33, %broadcast_in_dim3A_35 : vector<16xi1>, vector<16xi32>
      %add3A_211 = arith.addi %add3A_204, %select_n3A_210 : vector<16xi32>
      %broadcast_in_dim3A_212 = arith.constant 9 : i32
      %broadcast_in_dim3A_213 = vector.broadcast %broadcast_in_dim3A_212 : i32 to vector<16x1xi32>
      %gather3A_214 = vector.shape_cast %broadcast_in_dim3A_213 : vector<16x1xi32> to vector<16xi32>
      %gather3A_215 = tpu.dynamic_gather %get3A_148[%gather3A_214] in [0] : vector<16xi32>, vector<16xi32> -> vector<16xi32>
      %lt3A_216 = arith.cmpi slt, %gather3A_215, %get3A_145 : vector<16xi32>
      %select_n3A_217 = arith.select %lt3A_216, %broadcast_in_dim3A_33, %broadcast_in_dim3A_35 : vector<16xi1>, vector<16xi32>
      %add3A_218 = arith.addi %add3A_211, %select_n3A_217 : vector<16xi32>
      %broadcast_in_dim3A_219 = arith.constant 10 : i32
      %broadcast_in_dim3A_220 = vector.broadcast %broadcast_in_dim3A_219 : i32 to vector<16x1xi32>
      %gather3A_221 = vector.shape_cast %broadcast_in_dim3A_220 : vector<16x1xi32> to vector<16xi32>
      %gather3A_222 = tpu.dynamic_gather %get3A_148[%gather3A_221] in [0] : vector<16xi32>, vector<16xi32> -> vector<16xi32>
      %lt3A_223 = arith.cmpi slt, %gather3A_222, %get3A_145 : vector<16xi32>
      %select_n3A_224 = arith.select %lt3A_223, %broadcast_in_dim3A_33, %broadcast_in_dim3A_35 : vector<16xi1>, vector<16xi32>
      %add3A_225 = arith.addi %add3A_218, %select_n3A_224 : vector<16xi32>
      %broadcast_in_dim3A_226 = arith.constant 11 : i32
      %broadcast_in_dim3A_227 = vector.broadcast %broadcast_in_dim3A_226 : i32 to vector<16x1xi32>
      %gather3A_228 = vector.shape_cast %broadcast_in_dim3A_227 : vector<16x1xi32> to vector<16xi32>
      %gather3A_229 = tpu.dynamic_gather %get3A_148[%gather3A_228] in [0] : vector<16xi32>, vector<16xi32> -> vector<16xi32>
      %lt3A_230 = arith.cmpi slt, %gather3A_229, %get3A_145 : vector<16xi32>
      %select_n3A_231 = arith.select %lt3A_230, %broadcast_in_dim3A_33, %broadcast_in_dim3A_35 : vector<16xi1>, vector<16xi32>
      %add3A_232 = arith.addi %add3A_225, %select_n3A_231 : vector<16xi32>
      %jit3A_233 = arith.constant 1 : i32
      %jit3A_234 = arith.constant 11 : i32
      %max3A_235 = vector.broadcast %jit3A_233 : i32 to vector<16xi32>
      %max3A_236 = arith.maxsi %max3A_235, %add3A_232 : vector<16xi32>
      %min3A_237 = vector.broadcast %jit3A_234 : i32 to vector<16xi32>
      %min3A_238 = arith.minsi %min3A_237, %max3A_236 : vector<16xi32>
      %sub3A_239 = arith.constant 1 : i32
      %sub3A_240 = vector.broadcast %sub3A_239 : i32 to vector<16xi32>
      %sub3A_241 = arith.subi %min3A_238, %sub3A_240 : vector<16xi32>
      %and3A_242 = arith.constant 1 : i32
      %and3A_243 = vector.broadcast %and3A_242 : i32 to vector<16xi32>
      %and3A_244 = arith.andi %sub3A_241, %and3A_243 : vector<16xi32>
      %eq3A_245 = arith.constant 0 : i32
      %eq3A_246 = vector.broadcast %eq3A_245 : i32 to vector<16xi32>
      %eq3A_247 = arith.cmpi eq, %and3A_244, %eq3A_246 : vector<16xi32>
      %select_n3A_248 = arith.select %eq3A_247, %sub3A_241, %min3A_238 : vector<16xi1>, vector<16xi32>
      %swap3A_249 = arith.constant 16 : index
      %swap3A_250 = tpu.vector_load %arg6[%swap3A_249] {strides = array<i32>} : memref<64xi32, #tpu.memory_space<vmem>>, vector<16xi32>,
      %swap3A_251 = vector.shape_cast %swap3A_250 : vector<16xi32> to vector<16xi32>
      %swap3A_252 = vector.shape_cast %select_n3A_248 : vector<16xi32> to vector<16xi32>
      tpu.vector_store %arg6[%swap3A_249], %swap3A_252 {strides = array<i32>} : memref<64xi32, #tpu.memory_space<vmem>>, vector<16xi32>,
      %add3A_253 = arith.addi %sub3A_241, %min3A_238 : vector<16xi32>
      %sub3A_254 = arith.subi %add3A_253, %select_n3A_248 : vector<16xi32>
      %swap3A_255 = arith.constant 48 : index
      %swap3A_256 = tpu.vector_load %arg6[%swap3A_255] {strides = array<i32>} : memref<64xi32, #tpu.memory_space<vmem>>, vector<16xi32>,
      %swap3A_257 = vector.shape_cast %swap3A_256 : vector<16xi32> to vector<16xi32>
      %swap3A_258 = vector.shape_cast %sub3A_254 : vector<16xi32> to vector<16xi32>
      tpu.vector_store %arg6[%swap3A_255], %swap3A_258 {strides = array<i32>} : memref<64xi32, #tpu.memory_space<vmem>>, vector<16xi32>,
      %mul3A_259 = arith.constant 4 : i32
      %mul3A_260 = arith.muli %add3A, %mul3A_259 : i32
      %mul3A_261 = arith.constant 32 : i32
      %mul3A_262 = arith.muli %mul3A_260, %mul3A_261 : i32
      %add3A_263 = arith.constant 0 : i32
      %add3A_264 = arith.addi %mul3A_262, %add3A_263 : i32
      "tpu.region"() ({
        %run_scoped3A = tpu.sem_alloc : memref<!tpu.dma_semaphore, #tpu.memory_space<semaphore_mem>>
        %dma_start3A_265 = tpu.memref_slice %arg3[%add3A_264] : memref<512xi32, #tpu.memory_space<hbm>> -> memref<64xi32, #tpu.memory_space<hbm>>
        %dma_start3A_266 = tpu.memref_slice %arg3[%add3A_264] : memref<512xi32, #tpu.memory_space<hbm>> -> memref<64xi32, #tpu.memory_space<hbm>>
        tpu.enqueue_dma source(%arg6 : memref<64xi32, #tpu.memory_space<vmem>>) target(%dma_start3A_266 : memref<64xi32, #tpu.memory_space<hbm>>) target_semaphore(%run_scoped3A : memref<!tpu.dma_semaphore, #tpu.memory_space<semaphore_mem>>)
        %dma_wait3A_267 = tpu.memref_slice %arg3[%add3A_264] : memref<512xi32, #tpu.memory_space<hbm>> -> memref<64xi32, #tpu.memory_space<hbm>>
        %dma_wait3A_268 = tpu.memref_slice %arg3[%add3A_264] : memref<512xi32, #tpu.memory_space<hbm>> -> memref<64xi32, #tpu.memory_space<hbm>>
        tpu.wait_dma2 semaphore(%run_scoped3A : memref<!tpu.dma_semaphore, #tpu.memory_space<semaphore_mem>>) src(%arg6 : memref<64xi32, #tpu.memory_space<vmem>>) dst(%dma_wait3A_268 : memref<64xi32, #tpu.memory_space<hbm>>)
        tpu.yield
      }) : () -> ()
    } else {
    }
    %ge3A = arith.constant 8 : i32
    %ge3A_3 = arith.cmpi sge, %add3A, %ge3A : i32
    %lt3A_4 = arith.constant 12 : i32
    %lt3A_5 = arith.cmpi slt, %add3A, %lt3A_4 : i32
    %and3A = arith.andi %ge3A_3, %lt3A_5 : i1
    %convert_element_type3A_6 = arith.extui %and3A : i1 to i32
    %cond3A_7 = arith.constant 0 : i32
    %cond3A_8 = arith.cmpi ne, %convert_element_type3A_6, %cond3A_7 : i32
    scf.if %cond3A_8 {
      %sub3A = arith.constant 8 : i32
      %sub3A_9 = arith.subi %add3A, %sub3A : i32
      %mul3A_10 = arith.constant 2 : i32
      %mul3A_11 = arith.muli %sub3A_9, %mul3A_10 : i32
      %mul3A_12 = arith.constant 16 : i32
      %mul3A_13 = arith.muli %mul3A_11, %mul3A_12 : i32
      %add3A_14 = arith.constant 64 : i32
      %add3A_15 = arith.addi %add3A_14, %mul3A_13 : i32
      %dma_start3A = arith.constant 0 : i32
      %dma_start3A_16 = tpu.memref_slice %arg4[%dma_start3A] : memref<32xi32, #tpu.memory_space<vmem>> -> memref<32xi32, #tpu.memory_space<vmem>>
      %dma_start3A_17 = tpu.memref_slice %arg2[%add3A_15] : memref<224xi32, #tpu.memory_space<hbm>> -> memref<32xi32, #tpu.memory_space<hbm>>
      %dma_start3A_18 = arith.constant 0 : i32
      %dma_start3A_19 = tpu.memref_slice %arg4[%dma_start3A_18] : memref<32xi32, #tpu.memory_space<vmem>> -> memref<32xi32, #tpu.memory_space<vmem>>
      %dma_start3A_20 = tpu.memref_slice %arg2[%add3A_15] : memref<224xi32, #tpu.memory_space<hbm>> -> memref<32xi32, #tpu.memory_space<hbm>>
      tpu.enqueue_dma source(%dma_start3A_20 : memref<32xi32, #tpu.memory_space<hbm>>) target(%dma_start3A_19 : memref<32xi32, #tpu.memory_space<vmem>>) target_semaphore(%arg7 : memref<!tpu.dma_semaphore, #tpu.memory_space<semaphore_mem>>)
      %dma_start3A_21 = arith.constant 192 : i32
      %dma_start3A_22 = tpu.memref_slice %arg2[%dma_start3A_21] : memref<224xi32, #tpu.memory_space<hbm>> -> memref<32xi32, #tpu.memory_space<hbm>>
      %dma_start3A_23 = arith.constant 192 : i32
      %dma_start3A_24 = tpu.memref_slice %arg2[%dma_start3A_23] : memref<224xi32, #tpu.memory_space<hbm>> -> memref<32xi32, #tpu.memory_space<hbm>>
      tpu.enqueue_dma source(%dma_start3A_24 : memref<32xi32, #tpu.memory_space<hbm>>) target(%arg5 : memref<32xi32, #tpu.memory_space<vmem>>) target_semaphore(%arg8 : memref<!tpu.dma_semaphore, #tpu.memory_space<semaphore_mem>>)
      %dma_wait3A = arith.constant 0 : i32
      %dma_wait3A_25 = tpu.memref_slice %arg4[%dma_wait3A] : memref<32xi32, #tpu.memory_space<vmem>> -> memref<32xi32, #tpu.memory_space<vmem>>
      %dma_wait3A_26 = tpu.memref_slice %arg2[%add3A_15] : memref<224xi32, #tpu.memory_space<hbm>> -> memref<32xi32, #tpu.memory_space<hbm>>
      %dma_wait3A_27 = arith.constant 0 : i32
      %dma_wait3A_28 = tpu.memref_slice %arg4[%dma_wait3A_27] : memref<32xi32, #tpu.memory_space<vmem>> -> memref<32xi32, #tpu.memory_space<vmem>>
      %dma_wait3A_29 = tpu.memref_slice %arg2[%add3A_15] : memref<224xi32, #tpu.memory_space<hbm>> -> memref<32xi32, #tpu.memory_space<hbm>>
      tpu.wait_dma2 semaphore(%arg7 : memref<!tpu.dma_semaphore, #tpu.memory_space<semaphore_mem>>) src(%dma_wait3A_29 : memref<32xi32, #tpu.memory_space<hbm>>) dst(%dma_wait3A_28 : memref<32xi32, #tpu.memory_space<vmem>>)
      %dma_wait3A_30 = arith.constant 192 : i32
      %dma_wait3A_31 = tpu.memref_slice %arg2[%dma_wait3A_30] : memref<224xi32, #tpu.memory_space<hbm>> -> memref<32xi32, #tpu.memory_space<hbm>>
      %dma_wait3A_32 = arith.constant 192 : i32
      %dma_wait3A_33 = tpu.memref_slice %arg2[%dma_wait3A_32] : memref<224xi32, #tpu.memory_space<hbm>> -> memref<32xi32, #tpu.memory_space<hbm>>
      tpu.wait_dma2 semaphore(%arg8 : memref<!tpu.dma_semaphore, #tpu.memory_space<semaphore_mem>>) src(%dma_wait3A_33 : memref<32xi32, #tpu.memory_space<hbm>>) dst(%arg5 : memref<32xi32, #tpu.memory_space<vmem>>)
      %broadcast_in_dim3A = arith.constant 1 : i32
      %broadcast_in_dim3A_34 = vector.broadcast %broadcast_in_dim3A : i32 to vector<16xi32>
      %broadcast_in_dim3A_35 = arith.constant 0 : i32
      %broadcast_in_dim3A_36 = vector.broadcast %broadcast_in_dim3A_35 : i32 to vector<16xi32>
      %get3A = arith.constant 0 : index
      %get3A_37 = tpu.vector_load %arg5[%get3A] {strides = array<i32>} : memref<32xi32, #tpu.memory_space<vmem>>, vector<16xi32>,
      %get3A_38 = vector.shape_cast %get3A_37 : vector<16xi32> to vector<16xi32>
      %get3A_39 = arith.constant 0 : index
      %get3A_40 = tpu.vector_load %arg4[%get3A_39] {strides = array<i32>} : memref<32xi32, #tpu.memory_space<vmem>>, vector<16xi32>,
      %get3A_41 = vector.shape_cast %get3A_40 : vector<16xi32> to vector<16xi32>
      %broadcast_in_dim3A_42 = arith.constant 0 : i32
      %broadcast_in_dim3A_43 = vector.broadcast %broadcast_in_dim3A_42 : i32 to vector<16x1xi32>
      %gather3A = vector.shape_cast %broadcast_in_dim3A_43 : vector<16x1xi32> to vector<16xi32>
      %gather3A_44 = tpu.dynamic_gather %get3A_41[%gather3A] in [0] : vector<16xi32>, vector<16xi32> -> vector<16xi32>
      %lt3A_45 = arith.cmpi slt, %gather3A_44, %get3A_38 : vector<16xi32>
      %select_n3A = arith.select %lt3A_45, %broadcast_in_dim3A_34, %broadcast_in_dim3A_36 : vector<16xi1>, vector<16xi32>
      %add3A_46 = arith.addi %broadcast_in_dim3A_36, %select_n3A : vector<16xi32>
      %broadcast_in_dim3A_47 = arith.constant 1 : i32
      %broadcast_in_dim3A_48 = vector.broadcast %broadcast_in_dim3A_47 : i32 to vector<16x1xi32>
      %gather3A_49 = vector.shape_cast %broadcast_in_dim3A_48 : vector<16x1xi32> to vector<16xi32>
      %gather3A_50 = tpu.dynamic_gather %get3A_41[%gather3A_49] in [0] : vector<16xi32>, vector<16xi32> -> vector<16xi32>
      %lt3A_51 = arith.cmpi slt, %gather3A_50, %get3A_38 : vector<16xi32>
      %select_n3A_52 = arith.select %lt3A_51, %broadcast_in_dim3A_34, %broadcast_in_dim3A_36 : vector<16xi1>, vector<16xi32>
      %add3A_53 = arith.addi %add3A_46, %select_n3A_52 : vector<16xi32>
      %broadcast_in_dim3A_54 = arith.constant 2 : i32
      %broadcast_in_dim3A_55 = vector.broadcast %broadcast_in_dim3A_54 : i32 to vector<16x1xi32>
      %gather3A_56 = vector.shape_cast %broadcast_in_dim3A_55 : vector<16x1xi32> to vector<16xi32>
      %gather3A_57 = tpu.dynamic_gather %get3A_41[%gather3A_56] in [0] : vector<16xi32>, vector<16xi32> -> vector<16xi32>
      %lt3A_58 = arith.cmpi slt, %gather3A_57, %get3A_38 : vector<16xi32>
      %select_n3A_59 = arith.select %lt3A_58, %broadcast_in_dim3A_34, %broadcast_in_dim3A_36 : vector<16xi1>, vector<16xi32>
      %add3A_60 = arith.addi %add3A_53, %select_n3A_59 : vector<16xi32>
      %broadcast_in_dim3A_61 = arith.constant 3 : i32
      %broadcast_in_dim3A_62 = vector.broadcast %broadcast_in_dim3A_61 : i32 to vector<16x1xi32>
      %gather3A_63 = vector.shape_cast %broadcast_in_dim3A_62 : vector<16x1xi32> to vector<16xi32>
      %gather3A_64 = tpu.dynamic_gather %get3A_41[%gather3A_63] in [0] : vector<16xi32>, vector<16xi32> -> vector<16xi32>
      %lt3A_65 = arith.cmpi slt, %gather3A_64, %get3A_38 : vector<16xi32>
      %select_n3A_66 = arith.select %lt3A_65, %broadcast_in_dim3A_34, %broadcast_in_dim3A_36 : vector<16xi1>, vector<16xi32>
      %add3A_67 = arith.addi %add3A_60, %select_n3A_66 : vector<16xi32>
      %broadcast_in_dim3A_68 = arith.constant 4 : i32
      %broadcast_in_dim3A_69 = vector.broadcast %broadcast_in_dim3A_68 : i32 to vector<16x1xi32>
      %gather3A_70 = vector.shape_cast %broadcast_in_dim3A_69 : vector<16x1xi32> to vector<16xi32>
      %gather3A_71 = tpu.dynamic_gather %get3A_41[%gather3A_70] in [0] : vector<16xi32>, vector<16xi32> -> vector<16xi32>
      %lt3A_72 = arith.cmpi slt, %gather3A_71, %get3A_38 : vector<16xi32>
      %select_n3A_73 = arith.select %lt3A_72, %broadcast_in_dim3A_34, %broadcast_in_dim3A_36 : vector<16xi1>, vector<16xi32>
      %add3A_74 = arith.addi %add3A_67, %select_n3A_73 : vector<16xi32>
      %broadcast_in_dim3A_75 = arith.constant 5 : i32
      %broadcast_in_dim3A_76 = vector.broadcast %broadcast_in_dim3A_75 : i32 to vector<16x1xi32>
      %gather3A_77 = vector.shape_cast %broadcast_in_dim3A_76 : vector<16x1xi32> to vector<16xi32>
      %gather3A_78 = tpu.dynamic_gather %get3A_41[%gather3A_77] in [0] : vector<16xi32>, vector<16xi32> -> vector<16xi32>
      %lt3A_79 = arith.cmpi slt, %gather3A_78, %get3A_38 : vector<16xi32>
      %select_n3A_80 = arith.select %lt3A_79, %broadcast_in_dim3A_34, %broadcast_in_dim3A_36 : vector<16xi1>, vector<16xi32>
      %add3A_81 = arith.addi %add3A_74, %select_n3A_80 : vector<16xi32>
      %broadcast_in_dim3A_82 = arith.constant 6 : i32
      %broadcast_in_dim3A_83 = vector.broadcast %broadcast_in_dim3A_82 : i32 to vector<16x1xi32>
      %gather3A_84 = vector.shape_cast %broadcast_in_dim3A_83 : vector<16x1xi32> to vector<16xi32>
      %gather3A_85 = tpu.dynamic_gather %get3A_41[%gather3A_84] in [0] : vector<16xi32>, vector<16xi32> -> vector<16xi32>
      %lt3A_86 = arith.cmpi slt, %gather3A_85, %get3A_38 : vector<16xi32>
      %select_n3A_87 = arith.select %lt3A_86, %broadcast_in_dim3A_34, %broadcast_in_dim3A_36 : vector<16xi1>, vector<16xi32>
      %add3A_88 = arith.addi %add3A_81, %select_n3A_87 : vector<16xi32>
      %broadcast_in_dim3A_89 = arith.constant 7 : i32
      %broadcast_in_dim3A_90 = vector.broadcast %broadcast_in_dim3A_89 : i32 to vector<16x1xi32>
      %gather3A_91 = vector.shape_cast %broadcast_in_dim3A_90 : vector<16x1xi32> to vector<16xi32>
      %gather3A_92 = tpu.dynamic_gather %get3A_41[%gather3A_91] in [0] : vector<16xi32>, vector<16xi32> -> vector<16xi32>
      %lt3A_93 = arith.cmpi slt, %gather3A_92, %get3A_38 : vector<16xi32>
      %select_n3A_94 = arith.select %lt3A_93, %broadcast_in_dim3A_34, %broadcast_in_dim3A_36 : vector<16xi1>, vector<16xi32>
      %add3A_95 = arith.addi %add3A_88, %select_n3A_94 : vector<16xi32>
      %broadcast_in_dim3A_96 = arith.constant 8 : i32
      %broadcast_in_dim3A_97 = vector.broadcast %broadcast_in_dim3A_96 : i32 to vector<16x1xi32>
      %gather3A_98 = vector.shape_cast %broadcast_in_dim3A_97 : vector<16x1xi32> to vector<16xi32>
      %gather3A_99 = tpu.dynamic_gather %get3A_41[%gather3A_98] in [0] : vector<16xi32>, vector<16xi32> -> vector<16xi32>
      %lt3A_100 = arith.cmpi slt, %gather3A_99, %get3A_38 : vector<16xi32>
      %select_n3A_101 = arith.select %lt3A_100, %broadcast_in_dim3A_34, %broadcast_in_dim3A_36 : vector<16xi1>, vector<16xi32>
      %add3A_102 = arith.addi %add3A_95, %select_n3A_101 : vector<16xi32>
      %broadcast_in_dim3A_103 = arith.constant 9 : i32
      %broadcast_in_dim3A_104 = vector.broadcast %broadcast_in_dim3A_103 : i32 to vector<16x1xi32>
      %gather3A_105 = vector.shape_cast %broadcast_in_dim3A_104 : vector<16x1xi32> to vector<16xi32>
      %gather3A_106 = tpu.dynamic_gather %get3A_41[%gather3A_105] in [0] : vector<16xi32>, vector<16xi32> -> vector<16xi32>
      %lt3A_107 = arith.cmpi slt, %gather3A_106, %get3A_38 : vector<16xi32>
      %select_n3A_108 = arith.select %lt3A_107, %broadcast_in_dim3A_34, %broadcast_in_dim3A_36 : vector<16xi1>, vector<16xi32>
      %add3A_109 = arith.addi %add3A_102, %select_n3A_108 : vector<16xi32>
      %broadcast_in_dim3A_110 = arith.constant 10 : i32
      %broadcast_in_dim3A_111 = vector.broadcast %broadcast_in_dim3A_110 : i32 to vector<16x1xi32>
      %gather3A_112 = vector.shape_cast %broadcast_in_dim3A_111 : vector<16x1xi32> to vector<16xi32>
      %gather3A_113 = tpu.dynamic_gather %get3A_41[%gather3A_112] in [0] : vector<16xi32>, vector<16xi32> -> vector<16xi32>
      %lt3A_114 = arith.cmpi slt, %gather3A_113, %get3A_38 : vector<16xi32>
      %select_n3A_115 = arith.select %lt3A_114, %broadcast_in_dim3A_34, %broadcast_in_dim3A_36 : vector<16xi1>, vector<16xi32>
      %add3A_116 = arith.addi %add3A_109, %select_n3A_115 : vector<16xi32>
      %broadcast_in_dim3A_117 = arith.constant 11 : i32
      %broadcast_in_dim3A_118 = vector.broadcast %broadcast_in_dim3A_117 : i32 to vector<16x1xi32>
      %gather3A_119 = vector.shape_cast %broadcast_in_dim3A_118 : vector<16x1xi32> to vector<16xi32>
      %gather3A_120 = tpu.dynamic_gather %get3A_41[%gather3A_119] in [0] : vector<16xi32>, vector<16xi32> -> vector<16xi32>
      %lt3A_121 = arith.cmpi slt, %gather3A_120, %get3A_38 : vector<16xi32>
      %select_n3A_122 = arith.select %lt3A_121, %broadcast_in_dim3A_34, %broadcast_in_dim3A_36 : vector<16xi1>, vector<16xi32>
      %add3A_123 = arith.addi %add3A_116, %select_n3A_122 : vector<16xi32>
      %broadcast_in_dim3A_124 = arith.constant 12 : i32
      %broadcast_in_dim3A_125 = vector.broadcast %broadcast_in_dim3A_124 : i32 to vector<16x1xi32>
      %gather3A_126 = vector.shape_cast %broadcast_in_dim3A_125 : vector<16x1xi32> to vector<16xi32>
      %gather3A_127 = tpu.dynamic_gather %get3A_41[%gather3A_126] in [0] : vector<16xi32>, vector<16xi32> -> vector<16xi32>
      %lt3A_128 = arith.cmpi slt, %gather3A_127, %get3A_38 : vector<16xi32>
      %select_n3A_129 = arith.select %lt3A_128, %broadcast_in_dim3A_34, %broadcast_in_dim3A_36 : vector<16xi1>, vector<16xi32>
      %add3A_130 = arith.addi %add3A_123, %select_n3A_129 : vector<16xi32>
      %broadcast_in_dim3A_131 = arith.constant 13 : i32
      %broadcast_in_dim3A_132 = vector.broadcast %broadcast_in_dim3A_131 : i32 to vector<16x1xi32>
      %gather3A_133 = vector.shape_cast %broadcast_in_dim3A_132 : vector<16x1xi32> to vector<16xi32>
      %gather3A_134 = tpu.dynamic_gather %get3A_41[%gather3A_133] in [0] : vector<16xi32>, vector<16xi32> -> vector<16xi32>
      %lt3A_135 = arith.cmpi slt, %gather3A_134, %get3A_38 : vector<16xi32>
      %select_n3A_136 = arith.select %lt3A_135, %broadcast_in_dim3A_34, %broadcast_in_dim3A_36 : vector<16xi1>, vector<16xi32>
      %add3A_137 = arith.addi %add3A_130, %select_n3A_136 : vector<16xi32>
      %broadcast_in_dim3A_138 = arith.constant 14 : i32
      %broadcast_in_dim3A_139 = vector.broadcast %broadcast_in_dim3A_138 : i32 to vector<16x1xi32>
      %gather3A_140 = vector.shape_cast %broadcast_in_dim3A_139 : vector<16x1xi32> to vector<16xi32>
      %gather3A_141 = tpu.dynamic_gather %get3A_41[%gather3A_140] in [0] : vector<16xi32>, vector<16xi32> -> vector<16xi32>
      %lt3A_142 = arith.cmpi slt, %gather3A_141, %get3A_38 : vector<16xi32>
      %select_n3A_143 = arith.select %lt3A_142, %broadcast_in_dim3A_34, %broadcast_in_dim3A_36 : vector<16xi1>, vector<16xi32>
      %add3A_144 = arith.addi %add3A_137, %select_n3A_143 : vector<16xi32>
      %broadcast_in_dim3A_145 = arith.constant 15 : i32
      %broadcast_in_dim3A_146 = vector.broadcast %broadcast_in_dim3A_145 : i32 to vector<16x1xi32>
      %gather3A_147 = vector.shape_cast %broadcast_in_dim3A_146 : vector<16x1xi32> to vector<16xi32>
      %gather3A_148 = tpu.dynamic_gather %get3A_41[%gather3A_147] in [0] : vector<16xi32>, vector<16xi32> -> vector<16xi32>
      %lt3A_149 = arith.cmpi slt, %gather3A_148, %get3A_38 : vector<16xi32>
      %select_n3A_150 = arith.select %lt3A_149, %broadcast_in_dim3A_34, %broadcast_in_dim3A_36 : vector<16xi1>, vector<16xi32>
      %add3A_151 = arith.addi %add3A_144, %select_n3A_150 : vector<16xi32>
      %get3A_152 = arith.constant 16 : index
      %get3A_153 = tpu.vector_load %arg4[%get3A_152] {strides = array<i32>} : memref<32xi32, #tpu.memory_space<vmem>>, vector<16xi32>,
      %get3A_154 = vector.shape_cast %get3A_153 : vector<16xi32> to vector<16xi32>
      %broadcast_in_dim3A_155 = arith.constant 0 : i32
      %broadcast_in_dim3A_156 = vector.broadcast %broadcast_in_dim3A_155 : i32 to vector<16x1xi32>
      %gather3A_157 = vector.shape_cast %broadcast_in_dim3A_156 : vector<16x1xi32> to vector<16xi32>
      %gather3A_158 = tpu.dynamic_gather %get3A_154[%gather3A_157] in [0] : vector<16xi32>, vector<16xi32> -> vector<16xi32>
      %lt3A_159 = arith.cmpi slt, %gather3A_158, %get3A_38 : vector<16xi32>
      %select_n3A_160 = arith.select %lt3A_159, %broadcast_in_dim3A_34, %broadcast_in_dim3A_36 : vector<16xi1>, vector<16xi32>
      %add3A_161 = arith.addi %add3A_151, %select_n3A_160 : vector<16xi32>
      %broadcast_in_dim3A_162 = arith.constant 1 : i32
      %broadcast_in_dim3A_163 = vector.broadcast %broadcast_in_dim3A_162 : i32 to vector<16x1xi32>
      %gather3A_164 = vector.shape_cast %broadcast_in_dim3A_163 : vector<16x1xi32> to vector<16xi32>
      %gather3A_165 = tpu.dynamic_gather %get3A_154[%gather3A_164] in [0] : vector<16xi32>, vector<16xi32> -> vector<16xi32>
      %lt3A_166 = arith.cmpi slt, %gather3A_165, %get3A_38 : vector<16xi32>
      %select_n3A_167 = arith.select %lt3A_166, %broadcast_in_dim3A_34, %broadcast_in_dim3A_36 : vector<16xi1>, vector<16xi32>
      %add3A_168 = arith.addi %add3A_161, %select_n3A_167 : vector<16xi32>
      %broadcast_in_dim3A_169 = arith.constant 2 : i32
      %broadcast_in_dim3A_170 = vector.broadcast %broadcast_in_dim3A_169 : i32 to vector<16x1xi32>
      %gather3A_171 = vector.shape_cast %broadcast_in_dim3A_170 : vector<16x1xi32> to vector<16xi32>
      %gather3A_172 = tpu.dynamic_gather %get3A_154[%gather3A_171] in [0] : vector<16xi32>, vector<16xi32> -> vector<16xi32>
      %lt3A_173 = arith.cmpi slt, %gather3A_172, %get3A_38 : vector<16xi32>
      %select_n3A_174 = arith.select %lt3A_173, %broadcast_in_dim3A_34, %broadcast_in_dim3A_36 : vector<16xi1>, vector<16xi32>
      %add3A_175 = arith.addi %add3A_168, %select_n3A_174 : vector<16xi32>
      %broadcast_in_dim3A_176 = arith.constant 3 : i32
      %broadcast_in_dim3A_177 = vector.broadcast %broadcast_in_dim3A_176 : i32 to vector<16x1xi32>
      %gather3A_178 = vector.shape_cast %broadcast_in_dim3A_177 : vector<16x1xi32> to vector<16xi32>
      %gather3A_179 = tpu.dynamic_gather %get3A_154[%gather3A_178] in [0] : vector<16xi32>, vector<16xi32> -> vector<16xi32>
      %lt3A_180 = arith.cmpi slt, %gather3A_179, %get3A_38 : vector<16xi32>
      %select_n3A_181 = arith.select %lt3A_180, %broadcast_in_dim3A_34, %broadcast_in_dim3A_36 : vector<16xi1>, vector<16xi32>
      %add3A_182 = arith.addi %add3A_175, %select_n3A_181 : vector<16xi32>
      %broadcast_in_dim3A_183 = arith.constant 4 : i32
      %broadcast_in_dim3A_184 = vector.broadcast %broadcast_in_dim3A_183 : i32 to vector<16x1xi32>
      %gather3A_185 = vector.shape_cast %broadcast_in_dim3A_184 : vector<16x1xi32> to vector<16xi32>
      %gather3A_186 = tpu.dynamic_gather %get3A_154[%gather3A_185] in [0] : vector<16xi32>, vector<16xi32> -> vector<16xi32>
      %lt3A_187 = arith.cmpi slt, %gather3A_186, %get3A_38 : vector<16xi32>
      %select_n3A_188 = arith.select %lt3A_187, %broadcast_in_dim3A_34, %broadcast_in_dim3A_36 : vector<16xi1>, vector<16xi32>
      %add3A_189 = arith.addi %add3A_182, %select_n3A_188 : vector<16xi32>
      %broadcast_in_dim3A_190 = arith.constant 5 : i32
      %broadcast_in_dim3A_191 = vector.broadcast %broadcast_in_dim3A_190 : i32 to vector<16x1xi32>
      %gather3A_192 = vector.shape_cast %broadcast_in_dim3A_191 : vector<16x1xi32> to vector<16xi32>
      %gather3A_193 = tpu.dynamic_gather %get3A_154[%gather3A_192] in [0] : vector<16xi32>, vector<16xi32> -> vector<16xi32>
      %lt3A_194 = arith.cmpi slt, %gather3A_193, %get3A_38 : vector<16xi32>
      %select_n3A_195 = arith.select %lt3A_194, %broadcast_in_dim3A_34, %broadcast_in_dim3A_36 : vector<16xi1>, vector<16xi32>
      %add3A_196 = arith.addi %add3A_189, %select_n3A_195 : vector<16xi32>
      %broadcast_in_dim3A_197 = arith.constant 6 : i32
      %broadcast_in_dim3A_198 = vector.broadcast %broadcast_in_dim3A_197 : i32 to vector<16x1xi32>
      %gather3A_199 = vector.shape_cast %broadcast_in_dim3A_198 : vector<16x1xi32> to vector<16xi32>
      %gather3A_200 = tpu.dynamic_gather %get3A_154[%gather3A_199] in [0] : vector<16xi32>, vector<16xi32> -> vector<16xi32>
      %lt3A_201 = arith.cmpi slt, %gather3A_200, %get3A_38 : vector<16xi32>
      %select_n3A_202 = arith.select %lt3A_201, %broadcast_in_dim3A_34, %broadcast_in_dim3A_36 : vector<16xi1>, vector<16xi32>
      %add3A_203 = arith.addi %add3A_196, %select_n3A_202 : vector<16xi32>
      %broadcast_in_dim3A_204 = arith.constant 7 : i32
      %broadcast_in_dim3A_205 = vector.broadcast %broadcast_in_dim3A_204 : i32 to vector<16x1xi32>
      %gather3A_206 = vector.shape_cast %broadcast_in_dim3A_205 : vector<16x1xi32> to vector<16xi32>
      %gather3A_207 = tpu.dynamic_gather %get3A_154[%gather3A_206] in [0] : vector<16xi32>, vector<16xi32> -> vector<16xi32>
      %lt3A_208 = arith.cmpi slt, %gather3A_207, %get3A_38 : vector<16xi32>
      %select_n3A_209 = arith.select %lt3A_208, %broadcast_in_dim3A_34, %broadcast_in_dim3A_36 : vector<16xi1>, vector<16xi32>
      %add3A_210 = arith.addi %add3A_203, %select_n3A_209 : vector<16xi32>
      %jit3A = arith.constant 1 : i32
      %jit3A_211 = arith.constant 23 : i32
      %max3A = vector.broadcast %jit3A : i32 to vector<16xi32>
      %max3A_212 = arith.maxsi %max3A, %add3A_210 : vector<16xi32>
      %min3A = vector.broadcast %jit3A_211 : i32 to vector<16xi32>
      %min3A_213 = arith.minsi %min3A, %max3A_212 : vector<16xi32>
      %sub3A_214 = arith.constant 1 : i32
      %sub3A_215 = vector.broadcast %sub3A_214 : i32 to vector<16xi32>
      %sub3A_216 = arith.subi %min3A_213, %sub3A_215 : vector<16xi32>
      %and3A_217 = arith.constant 1 : i32
      %and3A_218 = vector.broadcast %and3A_217 : i32 to vector<16xi32>
      %and3A_219 = arith.andi %sub3A_216, %and3A_218 : vector<16xi32>
      %eq3A = arith.constant 0 : i32
      %eq3A_220 = vector.broadcast %eq3A : i32 to vector<16xi32>
      %eq3A_221 = arith.cmpi eq, %and3A_219, %eq3A_220 : vector<16xi32>
      %select_n3A_222 = arith.select %eq3A_221, %sub3A_216, %min3A_213 : vector<16xi1>, vector<16xi32>
      %swap3A = arith.constant 0 : index
      %swap3A_223 = tpu.vector_load %arg6[%swap3A] {strides = array<i32>} : memref<64xi32, #tpu.memory_space<vmem>>, vector<16xi32>,
      %swap3A_224 = vector.shape_cast %swap3A_223 : vector<16xi32> to vector<16xi32>
      %swap3A_225 = vector.shape_cast %select_n3A_222 : vector<16xi32> to vector<16xi32>
      tpu.vector_store %arg6[%swap3A], %swap3A_225 {strides = array<i32>} : memref<64xi32, #tpu.memory_space<vmem>>, vector<16xi32>,
      %add3A_226 = arith.addi %sub3A_216, %min3A_213 : vector<16xi32>
      %sub3A_227 = arith.subi %add3A_226, %select_n3A_222 : vector<16xi32>
      %swap3A_228 = arith.constant 32 : index
      %swap3A_229 = tpu.vector_load %arg6[%swap3A_228] {strides = array<i32>} : memref<64xi32, #tpu.memory_space<vmem>>, vector<16xi32>,
      %swap3A_230 = vector.shape_cast %swap3A_229 : vector<16xi32> to vector<16xi32>
      %swap3A_231 = vector.shape_cast %sub3A_227 : vector<16xi32> to vector<16xi32>
      tpu.vector_store %arg6[%swap3A_228], %swap3A_231 {strides = array<i32>} : memref<64xi32, #tpu.memory_space<vmem>>, vector<16xi32>,
      %get3A_232 = arith.constant 16 : index
      %get3A_233 = tpu.vector_load %arg5[%get3A_232] {strides = array<i32>} : memref<32xi32, #tpu.memory_space<vmem>>, vector<16xi32>,
      %get3A_234 = vector.shape_cast %get3A_233 : vector<16xi32> to vector<16xi32>
      %get3A_235 = arith.constant 0 : index
      %get3A_236 = tpu.vector_load %arg4[%get3A_235] {strides = array<i32>} : memref<32xi32, #tpu.memory_space<vmem>>, vector<16xi32>,
      %get3A_237 = vector.shape_cast %get3A_236 : vector<16xi32> to vector<16xi32>
      %broadcast_in_dim3A_238 = arith.constant 0 : i32
      %broadcast_in_dim3A_239 = vector.broadcast %broadcast_in_dim3A_238 : i32 to vector<16x1xi32>
      %gather3A_240 = vector.shape_cast %broadcast_in_dim3A_239 : vector<16x1xi32> to vector<16xi32>
      %gather3A_241 = tpu.dynamic_gather %get3A_237[%gather3A_240] in [0] : vector<16xi32>, vector<16xi32> -> vector<16xi32>
      %lt3A_242 = arith.cmpi slt, %gather3A_241, %get3A_234 : vector<16xi32>
      %select_n3A_243 = arith.select %lt3A_242, %broadcast_in_dim3A_34, %broadcast_in_dim3A_36 : vector<16xi1>, vector<16xi32>
      %add3A_244 = arith.addi %broadcast_in_dim3A_36, %select_n3A_243 : vector<16xi32>
      %broadcast_in_dim3A_245 = arith.constant 1 : i32
      %broadcast_in_dim3A_246 = vector.broadcast %broadcast_in_dim3A_245 : i32 to vector<16x1xi32>
      %gather3A_247 = vector.shape_cast %broadcast_in_dim3A_246 : vector<16x1xi32> to vector<16xi32>
      %gather3A_248 = tpu.dynamic_gather %get3A_237[%gather3A_247] in [0] : vector<16xi32>, vector<16xi32> -> vector<16xi32>
      %lt3A_249 = arith.cmpi slt, %gather3A_248, %get3A_234 : vector<16xi32>
      %select_n3A_250 = arith.select %lt3A_249, %broadcast_in_dim3A_34, %broadcast_in_dim3A_36 : vector<16xi1>, vector<16xi32>
      %add3A_251 = arith.addi %add3A_244, %select_n3A_250 : vector<16xi32>
      %broadcast_in_dim3A_252 = arith.constant 2 : i32
      %broadcast_in_dim3A_253 = vector.broadcast %broadcast_in_dim3A_252 : i32 to vector<16x1xi32>
      %gather3A_254 = vector.shape_cast %broadcast_in_dim3A_253 : vector<16x1xi32> to vector<16xi32>
      %gather3A_255 = tpu.dynamic_gather %get3A_237[%gather3A_254] in [0] : vector<16xi32>, vector<16xi32> -> vector<16xi32>
      %lt3A_256 = arith.cmpi slt, %gather3A_255, %get3A_234 : vector<16xi32>
      %select_n3A_257 = arith.select %lt3A_256, %broadcast_in_dim3A_34, %broadcast_in_dim3A_36 : vector<16xi1>, vector<16xi32>
      %add3A_258 = arith.addi %add3A_251, %select_n3A_257 : vector<16xi32>
      %broadcast_in_dim3A_259 = arith.constant 3 : i32
      %broadcast_in_dim3A_260 = vector.broadcast %broadcast_in_dim3A_259 : i32 to vector<16x1xi32>
      %gather3A_261 = vector.shape_cast %broadcast_in_dim3A_260 : vector<16x1xi32> to vector<16xi32>
      %gather3A_262 = tpu.dynamic_gather %get3A_237[%gather3A_261] in [0] : vector<16xi32>, vector<16xi32> -> vector<16xi32>
      %lt3A_263 = arith.cmpi slt, %gather3A_262, %get3A_234 : vector<16xi32>
      %select_n3A_264 = arith.select %lt3A_263, %broadcast_in_dim3A_34, %broadcast_in_dim3A_36 : vector<16xi1>, vector<16xi32>
      %add3A_265 = arith.addi %add3A_258, %select_n3A_264 : vector<16xi32>
      %broadcast_in_dim3A_266 = arith.constant 4 : i32
      %broadcast_in_dim3A_267 = vector.broadcast %broadcast_in_dim3A_266 : i32 to vector<16x1xi32>
      %gather3A_268 = vector.shape_cast %broadcast_in_dim3A_267 : vector<16x1xi32> to vector<16xi32>
      %gather3A_269 = tpu.dynamic_gather %get3A_237[%gather3A_268] in [0] : vector<16xi32>, vector<16xi32> -> vector<16xi32>
      %lt3A_270 = arith.cmpi slt, %gather3A_269, %get3A_234 : vector<16xi32>
      %select_n3A_271 = arith.select %lt3A_270, %broadcast_in_dim3A_34, %broadcast_in_dim3A_36 : vector<16xi1>, vector<16xi32>
      %add3A_272 = arith.addi %add3A_265, %select_n3A_271 : vector<16xi32>
      %broadcast_in_dim3A_273 = arith.constant 5 : i32
      %broadcast_in_dim3A_274 = vector.broadcast %broadcast_in_dim3A_273 : i32 to vector<16x1xi32>
      %gather3A_275 = vector.shape_cast %broadcast_in_dim3A_274 : vector<16x1xi32> to vector<16xi32>
      %gather3A_276 = tpu.dynamic_gather %get3A_237[%gather3A_275] in [0] : vector<16xi32>, vector<16xi32> -> vector<16xi32>
      %lt3A_277 = arith.cmpi slt, %gather3A_276, %get3A_234 : vector<16xi32>
      %select_n3A_278 = arith.select %lt3A_277, %broadcast_in_dim3A_34, %broadcast_in_dim3A_36 : vector<16xi1>, vector<16xi32>
      %add3A_279 = arith.addi %add3A_272, %select_n3A_278 : vector<16xi32>
      %broadcast_in_dim3A_280 = arith.constant 6 : i32
      %broadcast_in_dim3A_281 = vector.broadcast %broadcast_in_dim3A_280 : i32 to vector<16x1xi32>
      %gather3A_282 = vector.shape_cast %broadcast_in_dim3A_281 : vector<16x1xi32> to vector<16xi32>
      %gather3A_283 = tpu.dynamic_gather %get3A_237[%gather3A_282] in [0] : vector<16xi32>, vector<16xi32> -> vector<16xi32>
      %lt3A_284 = arith.cmpi slt, %gather3A_283, %get3A_234 : vector<16xi32>
      %select_n3A_285 = arith.select %lt3A_284, %broadcast_in_dim3A_34, %broadcast_in_dim3A_36 : vector<16xi1>, vector<16xi32>
      %add3A_286 = arith.addi %add3A_279, %select_n3A_285 : vector<16xi32>
      %broadcast_in_dim3A_287 = arith.constant 7 : i32
      %broadcast_in_dim3A_288 = vector.broadcast %broadcast_in_dim3A_287 : i32 to vector<16x1xi32>
      %gather3A_289 = vector.shape_cast %broadcast_in_dim3A_288 : vector<16x1xi32> to vector<16xi32>
      %gather3A_290 = tpu.dynamic_gather %get3A_237[%gather3A_289] in [0] : vector<16xi32>, vector<16xi32> -> vector<16xi32>
      %lt3A_291 = arith.cmpi slt, %gather3A_290, %get3A_234 : vector<16xi32>
      %select_n3A_292 = arith.select %lt3A_291, %broadcast_in_dim3A_34, %broadcast_in_dim3A_36 : vector<16xi1>, vector<16xi32>
      %add3A_293 = arith.addi %add3A_286, %select_n3A_292 : vector<16xi32>
      %broadcast_in_dim3A_294 = arith.constant 8 : i32
      %broadcast_in_dim3A_295 = vector.broadcast %broadcast_in_dim3A_294 : i32 to vector<16x1xi32>
      %gather3A_296 = vector.shape_cast %broadcast_in_dim3A_295 : vector<16x1xi32> to vector<16xi32>
      %gather3A_297 = tpu.dynamic_gather %get3A_237[%gather3A_296] in [0] : vector<16xi32>, vector<16xi32> -> vector<16xi32>
      %lt3A_298 = arith.cmpi slt, %gather3A_297, %get3A_234 : vector<16xi32>
      %select_n3A_299 = arith.select %lt3A_298, %broadcast_in_dim3A_34, %broadcast_in_dim3A_36 : vector<16xi1>, vector<16xi32>
      %add3A_300 = arith.addi %add3A_293, %select_n3A_299 : vector<16xi32>
      %broadcast_in_dim3A_301 = arith.constant 9 : i32
      %broadcast_in_dim3A_302 = vector.broadcast %broadcast_in_dim3A_301 : i32 to vector<16x1xi32>
      %gather3A_303 = vector.shape_cast %broadcast_in_dim3A_302 : vector<16x1xi32> to vector<16xi32>
      %gather3A_304 = tpu.dynamic_gather %get3A_237[%gather3A_303] in [0] : vector<16xi32>, vector<16xi32> -> vector<16xi32>
      %lt3A_305 = arith.cmpi slt, %gather3A_304, %get3A_234 : vector<16xi32>
      %select_n3A_306 = arith.select %lt3A_305, %broadcast_in_dim3A_34, %broadcast_in_dim3A_36 : vector<16xi1>, vector<16xi32>
      %add3A_307 = arith.addi %add3A_300, %select_n3A_306 : vector<16xi32>
      %broadcast_in_dim3A_308 = arith.constant 10 : i32
      %broadcast_in_dim3A_309 = vector.broadcast %broadcast_in_dim3A_308 : i32 to vector<16x1xi32>
      %gather3A_310 = vector.shape_cast %broadcast_in_dim3A_309 : vector<16x1xi32> to vector<16xi32>
      %gather3A_311 = tpu.dynamic_gather %get3A_237[%gather3A_310] in [0] : vector<16xi32>, vector<16xi32> -> vector<16xi32>
      %lt3A_312 = arith.cmpi slt, %gather3A_311, %get3A_234 : vector<16xi32>
      %select_n3A_313 = arith.select %lt3A_312, %broadcast_in_dim3A_34, %broadcast_in_dim3A_36 : vector<16xi1>, vector<16xi32>
      %add3A_314 = arith.addi %add3A_307, %select_n3A_313 : vector<16xi32>
      %broadcast_in_dim3A_315 = arith.constant 11 : i32
      %broadcast_in_dim3A_316 = vector.broadcast %broadcast_in_dim3A_315 : i32 to vector<16x1xi32>
      %gather3A_317 = vector.shape_cast %broadcast_in_dim3A_316 : vector<16x1xi32> to vector<16xi32>
      %gather3A_318 = tpu.dynamic_gather %get3A_237[%gather3A_317] in [0] : vector<16xi32>, vector<16xi32> -> vector<16xi32>
      %lt3A_319 = arith.cmpi slt, %gather3A_318, %get3A_234 : vector<16xi32>
      %select_n3A_320 = arith.select %lt3A_319, %broadcast_in_dim3A_34, %broadcast_in_dim3A_36 : vector<16xi1>, vector<16xi32>
      %add3A_321 = arith.addi %add3A_314, %select_n3A_320 : vector<16xi32>
      %broadcast_in_dim3A_322 = arith.constant 12 : i32
      %broadcast_in_dim3A_323 = vector.broadcast %broadcast_in_dim3A_322 : i32 to vector<16x1xi32>
      %gather3A_324 = vector.shape_cast %broadcast_in_dim3A_323 : vector<16x1xi32> to vector<16xi32>
      %gather3A_325 = tpu.dynamic_gather %get3A_237[%gather3A_324] in [0] : vector<16xi32>, vector<16xi32> -> vector<16xi32>
      %lt3A_326 = arith.cmpi slt, %gather3A_325, %get3A_234 : vector<16xi32>
      %select_n3A_327 = arith.select %lt3A_326, %broadcast_in_dim3A_34, %broadcast_in_dim3A_36 : vector<16xi1>, vector<16xi32>
      %add3A_328 = arith.addi %add3A_321, %select_n3A_327 : vector<16xi32>
      %broadcast_in_dim3A_329 = arith.constant 13 : i32
      %broadcast_in_dim3A_330 = vector.broadcast %broadcast_in_dim3A_329 : i32 to vector<16x1xi32>
      %gather3A_331 = vector.shape_cast %broadcast_in_dim3A_330 : vector<16x1xi32> to vector<16xi32>
      %gather3A_332 = tpu.dynamic_gather %get3A_237[%gather3A_331] in [0] : vector<16xi32>, vector<16xi32> -> vector<16xi32>
      %lt3A_333 = arith.cmpi slt, %gather3A_332, %get3A_234 : vector<16xi32>
      %select_n3A_334 = arith.select %lt3A_333, %broadcast_in_dim3A_34, %broadcast_in_dim3A_36 : vector<16xi1>, vector<16xi32>
      %add3A_335 = arith.addi %add3A_328, %select_n3A_334 : vector<16xi32>
      %broadcast_in_dim3A_336 = arith.constant 14 : i32
      %broadcast_in_dim3A_337 = vector.broadcast %broadcast_in_dim3A_336 : i32 to vector<16x1xi32>
      %gather3A_338 = vector.shape_cast %broadcast_in_dim3A_337 : vector<16x1xi32> to vector<16xi32>
      %gather3A_339 = tpu.dynamic_gather %get3A_237[%gather3A_338] in [0] : vector<16xi32>, vector<16xi32> -> vector<16xi32>
      %lt3A_340 = arith.cmpi slt, %gather3A_339, %get3A_234 : vector<16xi32>
      %select_n3A_341 = arith.select %lt3A_340, %broadcast_in_dim3A_34, %broadcast_in_dim3A_36 : vector<16xi1>, vector<16xi32>
      %add3A_342 = arith.addi %add3A_335, %select_n3A_341 : vector<16xi32>
      %broadcast_in_dim3A_343 = arith.constant 15 : i32
      %broadcast_in_dim3A_344 = vector.broadcast %broadcast_in_dim3A_343 : i32 to vector<16x1xi32>
      %gather3A_345 = vector.shape_cast %broadcast_in_dim3A_344 : vector<16x1xi32> to vector<16xi32>
      %gather3A_346 = tpu.dynamic_gather %get3A_237[%gather3A_345] in [0] : vector<16xi32>, vector<16xi32> -> vector<16xi32>
      %lt3A_347 = arith.cmpi slt, %gather3A_346, %get3A_234 : vector<16xi32>
      %select_n3A_348 = arith.select %lt3A_347, %broadcast_in_dim3A_34, %broadcast_in_dim3A_36 : vector<16xi1>, vector<16xi32>
      %add3A_349 = arith.addi %add3A_342, %select_n3A_348 : vector<16xi32>
      %get3A_350 = arith.constant 16 : index
      %get3A_351 = tpu.vector_load %arg4[%get3A_350] {strides = array<i32>} : memref<32xi32, #tpu.memory_space<vmem>>, vector<16xi32>,
      %get3A_352 = vector.shape_cast %get3A_351 : vector<16xi32> to vector<16xi32>
      %broadcast_in_dim3A_353 = arith.constant 0 : i32
      %broadcast_in_dim3A_354 = vector.broadcast %broadcast_in_dim3A_353 : i32 to vector<16x1xi32>
      %gather3A_355 = vector.shape_cast %broadcast_in_dim3A_354 : vector<16x1xi32> to vector<16xi32>
      %gather3A_356 = tpu.dynamic_gather %get3A_352[%gather3A_355] in [0] : vector<16xi32>, vector<16xi32> -> vector<16xi32>
      %lt3A_357 = arith.cmpi slt, %gather3A_356, %get3A_234 : vector<16xi32>
      %select_n3A_358 = arith.select %lt3A_357, %broadcast_in_dim3A_34, %broadcast_in_dim3A_36 : vector<16xi1>, vector<16xi32>
      %add3A_359 = arith.addi %add3A_349, %select_n3A_358 : vector<16xi32>
      %broadcast_in_dim3A_360 = arith.constant 1 : i32
      %broadcast_in_dim3A_361 = vector.broadcast %broadcast_in_dim3A_360 : i32 to vector<16x1xi32>
      %gather3A_362 = vector.shape_cast %broadcast_in_dim3A_361 : vector<16x1xi32> to vector<16xi32>
      %gather3A_363 = tpu.dynamic_gather %get3A_352[%gather3A_362] in [0] : vector<16xi32>, vector<16xi32> -> vector<16xi32>
      %lt3A_364 = arith.cmpi slt, %gather3A_363, %get3A_234 : vector<16xi32>
      %select_n3A_365 = arith.select %lt3A_364, %broadcast_in_dim3A_34, %broadcast_in_dim3A_36 : vector<16xi1>, vector<16xi32>
      %add3A_366 = arith.addi %add3A_359, %select_n3A_365 : vector<16xi32>
      %broadcast_in_dim3A_367 = arith.constant 2 : i32
      %broadcast_in_dim3A_368 = vector.broadcast %broadcast_in_dim3A_367 : i32 to vector<16x1xi32>
      %gather3A_369 = vector.shape_cast %broadcast_in_dim3A_368 : vector<16x1xi32> to vector<16xi32>
      %gather3A_370 = tpu.dynamic_gather %get3A_352[%gather3A_369] in [0] : vector<16xi32>, vector<16xi32> -> vector<16xi32>
      %lt3A_371 = arith.cmpi slt, %gather3A_370, %get3A_234 : vector<16xi32>
      %select_n3A_372 = arith.select %lt3A_371, %broadcast_in_dim3A_34, %broadcast_in_dim3A_36 : vector<16xi1>, vector<16xi32>
      %add3A_373 = arith.addi %add3A_366, %select_n3A_372 : vector<16xi32>
      %broadcast_in_dim3A_374 = arith.constant 3 : i32
      %broadcast_in_dim3A_375 = vector.broadcast %broadcast_in_dim3A_374 : i32 to vector<16x1xi32>
      %gather3A_376 = vector.shape_cast %broadcast_in_dim3A_375 : vector<16x1xi32> to vector<16xi32>
      %gather3A_377 = tpu.dynamic_gather %get3A_352[%gather3A_376] in [0] : vector<16xi32>, vector<16xi32> -> vector<16xi32>
      %lt3A_378 = arith.cmpi slt, %gather3A_377, %get3A_234 : vector<16xi32>
      %select_n3A_379 = arith.select %lt3A_378, %broadcast_in_dim3A_34, %broadcast_in_dim3A_36 : vector<16xi1>, vector<16xi32>
      %add3A_380 = arith.addi %add3A_373, %select_n3A_379 : vector<16xi32>
      %broadcast_in_dim3A_381 = arith.constant 4 : i32
      %broadcast_in_dim3A_382 = vector.broadcast %broadcast_in_dim3A_381 : i32 to vector<16x1xi32>
      %gather3A_383 = vector.shape_cast %broadcast_in_dim3A_382 : vector<16x1xi32> to vector<16xi32>
      %gather3A_384 = tpu.dynamic_gather %get3A_352[%gather3A_383] in [0] : vector<16xi32>, vector<16xi32> -> vector<16xi32>
      %lt3A_385 = arith.cmpi slt, %gather3A_384, %get3A_234 : vector<16xi32>
      %select_n3A_386 = arith.select %lt3A_385, %broadcast_in_dim3A_34, %broadcast_in_dim3A_36 : vector<16xi1>, vector<16xi32>
      %add3A_387 = arith.addi %add3A_380, %select_n3A_386 : vector<16xi32>
      %broadcast_in_dim3A_388 = arith.constant 5 : i32
      %broadcast_in_dim3A_389 = vector.broadcast %broadcast_in_dim3A_388 : i32 to vector<16x1xi32>
      %gather3A_390 = vector.shape_cast %broadcast_in_dim3A_389 : vector<16x1xi32> to vector<16xi32>
      %gather3A_391 = tpu.dynamic_gather %get3A_352[%gather3A_390] in [0] : vector<16xi32>, vector<16xi32> -> vector<16xi32>
      %lt3A_392 = arith.cmpi slt, %gather3A_391, %get3A_234 : vector<16xi32>
      %select_n3A_393 = arith.select %lt3A_392, %broadcast_in_dim3A_34, %broadcast_in_dim3A_36 : vector<16xi1>, vector<16xi32>
      %add3A_394 = arith.addi %add3A_387, %select_n3A_393 : vector<16xi32>
      %broadcast_in_dim3A_395 = arith.constant 6 : i32
      %broadcast_in_dim3A_396 = vector.broadcast %broadcast_in_dim3A_395 : i32 to vector<16x1xi32>
      %gather3A_397 = vector.shape_cast %broadcast_in_dim3A_396 : vector<16x1xi32> to vector<16xi32>
      %gather3A_398 = tpu.dynamic_gather %get3A_352[%gather3A_397] in [0] : vector<16xi32>, vector<16xi32> -> vector<16xi32>
      %lt3A_399 = arith.cmpi slt, %gather3A_398, %get3A_234 : vector<16xi32>
      %select_n3A_400 = arith.select %lt3A_399, %broadcast_in_dim3A_34, %broadcast_in_dim3A_36 : vector<16xi1>, vector<16xi32>
      %add3A_401 = arith.addi %add3A_394, %select_n3A_400 : vector<16xi32>
      %broadcast_in_dim3A_402 = arith.constant 7 : i32
      %broadcast_in_dim3A_403 = vector.broadcast %broadcast_in_dim3A_402 : i32 to vector<16x1xi32>
      %gather3A_404 = vector.shape_cast %broadcast_in_dim3A_403 : vector<16x1xi32> to vector<16xi32>
      %gather3A_405 = tpu.dynamic_gather %get3A_352[%gather3A_404] in [0] : vector<16xi32>, vector<16xi32> -> vector<16xi32>
      %lt3A_406 = arith.cmpi slt, %gather3A_405, %get3A_234 : vector<16xi32>
      %select_n3A_407 = arith.select %lt3A_406, %broadcast_in_dim3A_34, %broadcast_in_dim3A_36 : vector<16xi1>, vector<16xi32>
      %add3A_408 = arith.addi %add3A_401, %select_n3A_407 : vector<16xi32>
      %jit3A_409 = arith.constant 1 : i32
      %jit3A_410 = arith.constant 23 : i32
      %max3A_411 = vector.broadcast %jit3A_409 : i32 to vector<16xi32>
      %max3A_412 = arith.maxsi %max3A_411, %add3A_408 : vector<16xi32>
      %min3A_413 = vector.broadcast %jit3A_410 : i32 to vector<16xi32>
      %min3A_414 = arith.minsi %min3A_413, %max3A_412 : vector<16xi32>
      %sub3A_415 = arith.constant 1 : i32
      %sub3A_416 = vector.broadcast %sub3A_415 : i32 to vector<16xi32>
      %sub3A_417 = arith.subi %min3A_414, %sub3A_416 : vector<16xi32>
      %and3A_418 = arith.constant 1 : i32
      %and3A_419 = vector.broadcast %and3A_418 : i32 to vector<16xi32>
      %and3A_420 = arith.andi %sub3A_417, %and3A_419 : vector<16xi32>
      %eq3A_421 = arith.constant 0 : i32
      %eq3A_422 = vector.broadcast %eq3A_421 : i32 to vector<16xi32>
      %eq3A_423 = arith.cmpi eq, %and3A_420, %eq3A_422 : vector<16xi32>
      %select_n3A_424 = arith.select %eq3A_423, %sub3A_417, %min3A_414 : vector<16xi1>, vector<16xi32>
      %swap3A_425 = arith.constant 16 : index
      %swap3A_426 = tpu.vector_load %arg6[%swap3A_425] {strides = array<i32>} : memref<64xi32, #tpu.memory_space<vmem>>, vector<16xi32>,
      %swap3A_427 = vector.shape_cast %swap3A_426 : vector<16xi32> to vector<16xi32>
      %swap3A_428 = vector.shape_cast %select_n3A_424 : vector<16xi32> to vector<16xi32>
      tpu.vector_store %arg6[%swap3A_425], %swap3A_428 {strides = array<i32>} : memref<64xi32, #tpu.memory_space<vmem>>, vector<16xi32>,
      %add3A_429 = arith.addi %sub3A_417, %min3A_414 : vector<16xi32>
      %sub3A_430 = arith.subi %add3A_429, %select_n3A_424 : vector<16xi32>
      %swap3A_431 = arith.constant 48 : index
      %swap3A_432 = tpu.vector_load %arg6[%swap3A_431] {strides = array<i32>} : memref<64xi32, #tpu.memory_space<vmem>>, vector<16xi32>,
      %swap3A_433 = vector.shape_cast %swap3A_432 : vector<16xi32> to vector<16xi32>
      %swap3A_434 = vector.shape_cast %sub3A_430 : vector<16xi32> to vector<16xi32>
      tpu.vector_store %arg6[%swap3A_431], %swap3A_434 {strides = array<i32>} : memref<64xi32, #tpu.memory_space<vmem>>, vector<16xi32>,
      %mul3A_435 = arith.constant 4 : i32
      %mul3A_436 = arith.muli %sub3A_9, %mul3A_435 : i32
      %mul3A_437 = arith.constant 32 : i32
      %mul3A_438 = arith.muli %mul3A_436, %mul3A_437 : i32
      %add3A_439 = arith.constant 64 : i32
      %add3A_440 = arith.addi %mul3A_438, %add3A_439 : i32
      "tpu.region"() ({
        %run_scoped3A = tpu.sem_alloc : memref<!tpu.dma_semaphore, #tpu.memory_space<semaphore_mem>>
        %dma_start3A_441 = tpu.memref_slice %arg3[%add3A_440] : memref<512xi32, #tpu.memory_space<hbm>> -> memref<64xi32, #tpu.memory_space<hbm>>
        %dma_start3A_442 = tpu.memref_slice %arg3[%add3A_440] : memref<512xi32, #tpu.memory_space<hbm>> -> memref<64xi32, #tpu.memory_space<hbm>>
        tpu.enqueue_dma source(%arg6 : memref<64xi32, #tpu.memory_space<vmem>>) target(%dma_start3A_442 : memref<64xi32, #tpu.memory_space<hbm>>) target_semaphore(%run_scoped3A : memref<!tpu.dma_semaphore, #tpu.memory_space<semaphore_mem>>)
        %dma_wait3A_443 = tpu.memref_slice %arg3[%add3A_440] : memref<512xi32, #tpu.memory_space<hbm>> -> memref<64xi32, #tpu.memory_space<hbm>>
        %dma_wait3A_444 = tpu.memref_slice %arg3[%add3A_440] : memref<512xi32, #tpu.memory_space<hbm>> -> memref<64xi32, #tpu.memory_space<hbm>>
        tpu.wait_dma2 semaphore(%run_scoped3A : memref<!tpu.dma_semaphore, #tpu.memory_space<semaphore_mem>>) src(%arg6 : memref<64xi32, #tpu.memory_space<vmem>>) dst(%dma_wait3A_444 : memref<64xi32, #tpu.memory_space<hbm>>)
        tpu.yield
      }) : () -> ()
    } else {
    }
    return
  }
}

module attributes {stable_mosaic.version = 14 : i64} {
  func.func @_fuse_kernel(%arg0: i32, %arg1: i32, %arg2: memref<512xi32, #tpu.memory_space<smem>>, %arg3: memref<4x12xi32, #tpu.memory_space<smem>>, %arg4: memref<4x24xi32, #tpu.memory_space<smem>>, %arg5: memref<20xi32, #tpu.memory_space<smem>>, %arg6: memref<1x1x4x48x48xf32, #tpu.memory_space<vmem>>, %arg7: memref<1x1x4x48x48xf32, #tpu.memory_space<vmem>>, %arg8: memref<1x1x4x192x192xf32, #tpu.memory_space<vmem>>, %arg9: memref<1x1x4x192x192xf32, #tpu.memory_space<vmem>>, %arg10: memref<192x48xf32, #tpu.memory_space<vmem>>, %arg11: memref<1x1x4x192x192xf32, #tpu.memory_space<vmem>>, %arg12: memref<1x1x4x192x192xf32, #tpu.memory_space<vmem>>) attributes {dimension_semantics = [#tpu.dimension_semantics<arbitrary>, #tpu.dimension_semantics<arbitrary>], iteration_bounds = array<i64: 4, 20>, scalar_prefetch = 4 : i64, scratch_operands = 0 : i64, tpu.core_type = #tpu.core_type<tc>, window_params = [{transform_indices = @transform_0, window_bounds = array<i64: 1, 1, 4, 48, 48>}, {transform_indices = @transform_1, window_bounds = array<i64: 1, 1, 4, 48, 48>}, {transform_indices = @transform_2, window_bounds = array<i64: 1, 1, 4, 192, 192>}, {transform_indices = @transform_3, window_bounds = array<i64: 1, 1, 4, 192, 192>}, {pipeline_mode = #tpu.pipeline_mode<synchronous>, transform_indices = @transform_4, window_bounds = array<i64: 192, 48>}, {transform_indices = @transform_5, window_bounds = array<i64: 1, 1, 4, 192, 192>}, {transform_indices = @transform_6, window_bounds = array<i64: 1, 1, 4, 192, 192>}]} {
    %get3A = arith.index_cast %arg1 : i32 to index
    %get3A_0 = memref.load %arg5[%get3A] : memref<20xi32, #tpu.memory_space<smem>>
    %convert_element_type3A = arith.sitofp %get3A_0 : i32 to f32
    %mul3A = arith.constant 128 : i32
    %mul3A_1 = arith.muli %arg0, %mul3A : i32
    %add3A = arith.constant 64 : i32
    %add3A_2 = arith.addi %mul3A_1, %add3A : i32
    %add3A_3 = arith.addi %add3A_2, %arg1 : i32
    %get3A_4 = arith.index_cast %add3A_3 : i32 to index
    %get3A_5 = memref.load %arg2[%get3A_4] : memref<512xi32, #tpu.memory_space<smem>>
    %mul3A_6 = arith.constant 128 : i32
    %mul3A_7 = arith.muli %arg0, %mul3A_6 : i32
    %add3A_8 = arith.constant 64 : i32
    %add3A_9 = arith.addi %mul3A_7, %add3A_8 : i32
    %add3A_10 = arith.constant 32 : i32
    %add3A_11 = arith.addi %add3A_9, %add3A_10 : i32
    %add3A_12 = arith.addi %add3A_11, %arg1 : i32
    %get3A_13 = arith.index_cast %add3A_12 : i32 to index
    %get3A_14 = memref.load %arg2[%get3A_13] : memref<512xi32, #tpu.memory_space<smem>>
    %min3A = arith.minsi %get3A_5, %get3A_14 : i32
    %max3A = arith.maxsi %get3A_5, %get3A_14 : i32
    %get3A_15 = arith.index_cast %arg0 : i32 to index
    %get3A_16 = arith.index_cast %min3A : i32 to index
    %get3A_17 = memref.load %arg4[%get3A_15, %get3A_16] : memref<4x24xi32, #tpu.memory_space<smem>>
    %convert_element_type3A_18 = arith.sitofp %get3A_17 : i32 to f32
    %get3A_19 = arith.index_cast %arg0 : i32 to index
    %get3A_20 = arith.index_cast %max3A : i32 to index
    %get3A_21 = memref.load %arg4[%get3A_19, %get3A_20] : memref<4x24xi32, #tpu.memory_space<smem>>
    %convert_element_type3A_22 = arith.sitofp %get3A_21 : i32 to f32
    %sub3A = arith.subf %convert_element_type3A_22, %convert_element_type3A_18 : f32
    %eq3A = arith.constant 0.000000e+00 : f32
    %eq3A_23 = arith.cmpf oeq, %sub3A, %eq3A : f32
    %sub3A_24 = arith.subf %convert_element_type3A_22, %convert_element_type3A_18 : f32
    %jit3A = arith.constant 1.000000e+00 : f32
    %select_n3A = arith.select %eq3A_23, %jit3A, %sub3A_24 : f32
    %sub3A_25 = arith.subf %convert_element_type3A, %convert_element_type3A_18 : f32
    %div3A = arith.divf %sub3A_25, %select_n3A : f32
    %jit3A_26 = arith.constant 0.000000e+00 : f32
    %jit3A_27 = arith.constant 1.000000e+00 : f32
    %max3A_28 = arith.maximumf %jit3A_26, %div3A : f32
    %min3A_29 = arith.minimumf %jit3A_27, %max3A_28 : f32
    %lt3A = arith.cmpi slt, %get3A_5, %get3A_14 : i32
    %sub3A_30 = arith.constant 1.000000e+00 : f32
    %sub3A_31 = arith.subf %sub3A_30, %min3A_29 : f32
    %select_n3A_32 = arith.select %lt3A, %sub3A_31, %min3A_29 : f32
    %sub3A_33 = arith.constant 1.000000e+00 : f32
    %sub3A_34 = arith.subf %sub3A_33, %min3A_29 : f32
    %select_n3A_35 = arith.select %lt3A, %min3A_29, %sub3A_34 : f32
    %get3A_36 = arith.constant 0 : index
    %get3A_37 = arith.constant 0 : index
    %get3A_38 = arith.constant 0 : index
    %get3A_39 = arith.constant 0 : index
    %get3A_40 = arith.constant 0 : index
    %get3A_41 = vector.load %arg8[%get3A_36, %get3A_37, %get3A_38, %get3A_39, %get3A_40] : memref<1x1x4x192x192xf32, #tpu.memory_space<vmem>>, vector<1x1x4x192x192xf32>
    %get3A_42 = vector.shape_cast %get3A_41 : vector<1x1x4x192x192xf32> to vector<4x192x192xf32>
    %mul3A_43 = vector.broadcast %select_n3A_32 : f32 to vector<4x192x192xf32>
    %mul3A_44 = arith.mulf %get3A_42, %mul3A_43 : vector<4x192x192xf32>
    %get3A_45 = arith.constant 0 : index
    %get3A_46 = arith.constant 0 : index
    %get3A_47 = arith.constant 0 : index
    %get3A_48 = arith.constant 0 : index
    %get3A_49 = arith.constant 0 : index
    %get3A_50 = vector.load %arg9[%get3A_45, %get3A_46, %get3A_47, %get3A_48, %get3A_49] : memref<1x1x4x192x192xf32, #tpu.memory_space<vmem>>, vector<1x1x4x192x192xf32>
    %get3A_51 = vector.shape_cast %get3A_50 : vector<1x1x4x192x192xf32> to vector<4x192x192xf32>
    %mul3A_52 = vector.broadcast %select_n3A_35 : f32 to vector<4x192x192xf32>
    %mul3A_53 = arith.mulf %get3A_51, %mul3A_52 : vector<4x192x192xf32>
    %add3A_54 = arith.addf %mul3A_44, %mul3A_53 : vector<4x192x192xf32>
    %swap3A = arith.constant 0 : index
    %swap3A_55 = arith.constant 0 : index
    %swap3A_56 = arith.constant 0 : index
    %swap3A_57 = arith.constant 0 : index
    %swap3A_58 = arith.constant 0 : index
    %swap3A_59 = vector.load %arg12[%swap3A, %swap3A_55, %swap3A_56, %swap3A_57, %swap3A_58] : memref<1x1x4x192x192xf32, #tpu.memory_space<vmem>>, vector<1x1x4x192x192xf32>
    %swap3A_60 = vector.shape_cast %swap3A_59 : vector<1x1x4x192x192xf32> to vector<4x192x192xf32>
    %swap3A_61 = vector.shape_cast %add3A_54 : vector<4x192x192xf32> to vector<1x1x4x192x192xf32>
    tpu.vector_store %arg12[%swap3A, %swap3A_55, %swap3A_56, %swap3A_57, %swap3A_58], %swap3A_61 {strides = array<i32>} : memref<1x1x4x192x192xf32, #tpu.memory_space<vmem>>, vector<1x1x4x192x192xf32>,
    %mul3A_62 = arith.constant 128 : i32
    %mul3A_63 = arith.muli %arg0, %mul3A_62 : i32
    %add3A_64 = arith.constant 0 : i32
    %add3A_65 = arith.addi %mul3A_63, %add3A_64 : i32
    %add3A_66 = arith.addi %add3A_65, %arg1 : i32
    %get3A_67 = arith.index_cast %add3A_66 : i32 to index
    %get3A_68 = memref.load %arg2[%get3A_67] : memref<512xi32, #tpu.memory_space<smem>>
    %mul3A_69 = arith.constant 128 : i32
    %mul3A_70 = arith.muli %arg0, %mul3A_69 : i32
    %add3A_71 = arith.constant 0 : i32
    %add3A_72 = arith.addi %mul3A_70, %add3A_71 : i32
    %add3A_73 = arith.constant 32 : i32
    %add3A_74 = arith.addi %add3A_72, %add3A_73 : i32
    %add3A_75 = arith.addi %add3A_74, %arg1 : i32
    %get3A_76 = arith.index_cast %add3A_75 : i32 to index
    %get3A_77 = memref.load %arg2[%get3A_76] : memref<512xi32, #tpu.memory_space<smem>>
    %min3A_78 = arith.minsi %get3A_68, %get3A_77 : i32
    %max3A_79 = arith.maxsi %get3A_68, %get3A_77 : i32
    %get3A_80 = arith.index_cast %arg0 : i32 to index
    %get3A_81 = arith.index_cast %min3A_78 : i32 to index
    %get3A_82 = memref.load %arg3[%get3A_80, %get3A_81] : memref<4x12xi32, #tpu.memory_space<smem>>
    %convert_element_type3A_83 = arith.sitofp %get3A_82 : i32 to f32
    %get3A_84 = arith.index_cast %arg0 : i32 to index
    %get3A_85 = arith.index_cast %max3A_79 : i32 to index
    %get3A_86 = memref.load %arg3[%get3A_84, %get3A_85] : memref<4x12xi32, #tpu.memory_space<smem>>
    %convert_element_type3A_87 = arith.sitofp %get3A_86 : i32 to f32
    %sub3A_88 = arith.subf %convert_element_type3A_87, %convert_element_type3A_83 : f32
    %eq3A_89 = arith.constant 0.000000e+00 : f32
    %eq3A_90 = arith.cmpf oeq, %sub3A_88, %eq3A_89 : f32
    %sub3A_91 = arith.subf %convert_element_type3A_87, %convert_element_type3A_83 : f32
    %jit3A_92 = arith.constant 1.000000e+00 : f32
    %select_n3A_93 = arith.select %eq3A_90, %jit3A_92, %sub3A_91 : f32
    %sub3A_94 = arith.subf %convert_element_type3A, %convert_element_type3A_83 : f32
    %div3A_95 = arith.divf %sub3A_94, %select_n3A_93 : f32
    %jit3A_96 = arith.constant 0.000000e+00 : f32
    %jit3A_97 = arith.constant 1.000000e+00 : f32
    %max3A_98 = arith.maximumf %jit3A_96, %div3A_95 : f32
    %min3A_99 = arith.minimumf %jit3A_97, %max3A_98 : f32
    %lt3A_100 = arith.cmpi slt, %get3A_68, %get3A_77 : i32
    %sub3A_101 = arith.constant 1.000000e+00 : f32
    %sub3A_102 = arith.subf %sub3A_101, %min3A_99 : f32
    %select_n3A_103 = arith.select %lt3A_100, %sub3A_102, %min3A_99 : f32
    %sub3A_104 = arith.constant 1.000000e+00 : f32
    %sub3A_105 = arith.subf %sub3A_104, %min3A_99 : f32
    %select_n3A_106 = arith.select %lt3A_100, %min3A_99, %sub3A_105 : f32
    %get3A_107 = arith.constant 0 : index
    %get3A_108 = arith.constant 0 : index
    %get3A_109 = arith.constant 0 : index
    %get3A_110 = arith.constant 0 : index
    %get3A_111 = arith.constant 0 : index
    %get3A_112 = vector.load %arg6[%get3A_107, %get3A_108, %get3A_109, %get3A_110, %get3A_111] : memref<1x1x4x48x48xf32, #tpu.memory_space<vmem>>, vector<1x1x4x48x48xf32>
    %get3A_113 = vector.shape_cast %get3A_112 : vector<1x1x4x48x48xf32> to vector<4x48x48xf32>
    %mul3A_114 = vector.broadcast %select_n3A_103 : f32 to vector<4x48x48xf32>
    %mul3A_115 = arith.mulf %get3A_113, %mul3A_114 : vector<4x48x48xf32>
    %get3A_116 = arith.constant 0 : index
    %get3A_117 = arith.constant 0 : index
    %get3A_118 = arith.constant 0 : index
    %get3A_119 = arith.constant 0 : index
    %get3A_120 = arith.constant 0 : index
    %get3A_121 = vector.load %arg7[%get3A_116, %get3A_117, %get3A_118, %get3A_119, %get3A_120] : memref<1x1x4x48x48xf32, #tpu.memory_space<vmem>>, vector<1x1x4x48x48xf32>
    %get3A_122 = vector.shape_cast %get3A_121 : vector<1x1x4x48x48xf32> to vector<4x48x48xf32>
    %mul3A_123 = vector.broadcast %select_n3A_106 : f32 to vector<4x48x48xf32>
    %mul3A_124 = arith.mulf %get3A_122, %mul3A_123 : vector<4x48x48xf32>
    %add3A_125 = arith.addf %mul3A_115, %mul3A_124 : vector<4x48x48xf32>
    %get3A_126 = arith.constant 0 : index
    %get3A_127 = arith.constant 0 : index
    %get3A_128 = vector.load %arg10[%get3A_126, %get3A_127] : memref<192x48xf32, #tpu.memory_space<vmem>>, vector<192x48xf32>
    %dot_general3A = arith.constant dense<0.000000e+00> : vector<4x48x192xf32>
    %dot_general3A_129 = tpu.matmul %add3A_125, %get3A_128, %dot_general3A {dimension_numbers = #tpu.dot_dimension_numbers<[1], [1], [0, 2], [0], [0, 0, 0, 2, 1, 0], [], []>, transpose_lhs_hint = false} : vector<4x48x48xf32>, vector<192x48xf32>, vector<4x48x192xf32> -> vector<4x48x192xf32>
    %dot_general3A_130 = arith.constant dense<0.000000e+00> : vector<4x192x192xf32>
    %dot_general3A_131 = tpu.matmul %dot_general3A_129, %get3A_128, %dot_general3A_130 {dimension_numbers = #tpu.dot_dimension_numbers<[1], [1], [0, 2], [0], [0, 0, 0, 2, 1, 0], [], []>, transpose_lhs_hint = false} : vector<4x48x192xf32>, vector<192x48xf32>, vector<4x192x192xf32> -> vector<4x192x192xf32>
    %swap3A_132 = arith.constant 0 : index
    %swap3A_133 = arith.constant 0 : index
    %swap3A_134 = arith.constant 0 : index
    %swap3A_135 = arith.constant 0 : index
    %swap3A_136 = arith.constant 0 : index
    %swap3A_137 = vector.load %arg11[%swap3A_132, %swap3A_133, %swap3A_134, %swap3A_135, %swap3A_136] : memref<1x1x4x192x192xf32, #tpu.memory_space<vmem>>, vector<1x1x4x192x192xf32>
    %swap3A_138 = vector.shape_cast %swap3A_137 : vector<1x1x4x192x192xf32> to vector<4x192x192xf32>
    %swap3A_139 = vector.shape_cast %dot_general3A_131 : vector<4x192x192xf32> to vector<1x1x4x192x192xf32>
    tpu.vector_store %arg11[%swap3A_132, %swap3A_133, %swap3A_134, %swap3A_135, %swap3A_136], %swap3A_139 {strides = array<i32>} : memref<1x1x4x192x192xf32, #tpu.memory_space<vmem>>, vector<1x1x4x192x192xf32>,
    return
  }
  func.func @transform_0(%arg0: i32, %arg1: i32, %arg2: memref<512xi32, #tpu.memory_space<smem>>, %arg3: memref<4x12xi32, #tpu.memory_space<smem>>, %arg4: memref<4x24xi32, #tpu.memory_space<smem>>, %arg5: memref<20xi32, #tpu.memory_space<smem>>) -> (i32, i32, i32, i32, i32) {
    %mul3A = arith.constant 128 : i32
    %mul3A_0 = arith.muli %arg0, %mul3A : i32
    %add3A = arith.addi %mul3A_0, %arg1 : i32
    %get3A = arith.index_cast %add3A : i32 to index
    %get3A_1 = memref.load %arg2[%get3A] : memref<512xi32, #tpu.memory_space<smem>>
    %c0_i32 = arith.constant 0 : i32
    %c0_i32_2 = arith.constant 0 : i32
    %c0_i32_3 = arith.constant 0 : i32
    %c0_i32_4 = arith.constant 0 : i32
    return %arg0, %get3A_1, %c0_i32, %c0_i32_2, %c0_i32_3 : i32, i32, i32, i32, i32
  }
  func.func @transform_1(%arg0: i32, %arg1: i32, %arg2: memref<512xi32, #tpu.memory_space<smem>>, %arg3: memref<4x12xi32, #tpu.memory_space<smem>>, %arg4: memref<4x24xi32, #tpu.memory_space<smem>>, %arg5: memref<20xi32, #tpu.memory_space<smem>>) -> (i32, i32, i32, i32, i32) {
    %mul3A = arith.constant 128 : i32
    %mul3A_0 = arith.muli %arg0, %mul3A : i32
    %add3A = arith.constant 32 : i32
    %add3A_1 = arith.addi %mul3A_0, %add3A : i32
    %add3A_2 = arith.addi %add3A_1, %arg1 : i32
    %get3A = arith.index_cast %add3A_2 : i32 to index
    %get3A_3 = memref.load %arg2[%get3A] : memref<512xi32, #tpu.memory_space<smem>>
    %c0_i32 = arith.constant 0 : i32
    %c0_i32_4 = arith.constant 0 : i32
    %c0_i32_5 = arith.constant 0 : i32
    %c0_i32_6 = arith.constant 0 : i32
    return %arg0, %get3A_3, %c0_i32, %c0_i32_4, %c0_i32_5 : i32, i32, i32, i32, i32
  }
  func.func @transform_2(%arg0: i32, %arg1: i32, %arg2: memref<512xi32, #tpu.memory_space<smem>>, %arg3: memref<4x12xi32, #tpu.memory_space<smem>>, %arg4: memref<4x24xi32, #tpu.memory_space<smem>>, %arg5: memref<20xi32, #tpu.memory_space<smem>>) -> (i32, i32, i32, i32, i32) {
    %mul3A = arith.constant 128 : i32
    %mul3A_0 = arith.muli %arg0, %mul3A : i32
    %add3A = arith.constant 64 : i32
    %add3A_1 = arith.addi %mul3A_0, %add3A : i32
    %add3A_2 = arith.addi %add3A_1, %arg1 : i32
    %get3A = arith.index_cast %add3A_2 : i32 to index
    %get3A_3 = memref.load %arg2[%get3A] : memref<512xi32, #tpu.memory_space<smem>>
    %c0_i32 = arith.constant 0 : i32
    %c0_i32_4 = arith.constant 0 : i32
    %c0_i32_5 = arith.constant 0 : i32
    %c0_i32_6 = arith.constant 0 : i32
    return %arg0, %get3A_3, %c0_i32, %c0_i32_4, %c0_i32_5 : i32, i32, i32, i32, i32
  }
  func.func @transform_3(%arg0: i32, %arg1: i32, %arg2: memref<512xi32, #tpu.memory_space<smem>>, %arg3: memref<4x12xi32, #tpu.memory_space<smem>>, %arg4: memref<4x24xi32, #tpu.memory_space<smem>>, %arg5: memref<20xi32, #tpu.memory_space<smem>>) -> (i32, i32, i32, i32, i32) {
    %mul3A = arith.constant 128 : i32
    %mul3A_0 = arith.muli %arg0, %mul3A : i32
    %add3A = arith.constant 96 : i32
    %add3A_1 = arith.addi %mul3A_0, %add3A : i32
    %add3A_2 = arith.addi %add3A_1, %arg1 : i32
    %get3A = arith.index_cast %add3A_2 : i32 to index
    %get3A_3 = memref.load %arg2[%get3A] : memref<512xi32, #tpu.memory_space<smem>>
    %c0_i32 = arith.constant 0 : i32
    %c0_i32_4 = arith.constant 0 : i32
    %c0_i32_5 = arith.constant 0 : i32
    %c0_i32_6 = arith.constant 0 : i32
    return %arg0, %get3A_3, %c0_i32, %c0_i32_4, %c0_i32_5 : i32, i32, i32, i32, i32
  }
  func.func @transform_4(%arg0: i32, %arg1: i32, %arg2: memref<512xi32, #tpu.memory_space<smem>>, %arg3: memref<4x12xi32, #tpu.memory_space<smem>>, %arg4: memref<4x24xi32, #tpu.memory_space<smem>>, %arg5: memref<20xi32, #tpu.memory_space<smem>>) -> (i32, i32) {
    %c0_i32 = arith.constant 0 : i32
    %c0_i32_0 = arith.constant 0 : i32
    %c0_i32_1 = arith.constant 0 : i32
    return %c0_i32, %c0_i32_0 : i32, i32
  }
  func.func @transform_5(%arg0: i32, %arg1: i32, %arg2: memref<512xi32, #tpu.memory_space<smem>>, %arg3: memref<4x12xi32, #tpu.memory_space<smem>>, %arg4: memref<4x24xi32, #tpu.memory_space<smem>>, %arg5: memref<20xi32, #tpu.memory_space<smem>>) -> (i32, i32, i32, i32, i32) {
    %c0_i32 = arith.constant 0 : i32
    %c0_i32_0 = arith.constant 0 : i32
    %c0_i32_1 = arith.constant 0 : i32
    %c0_i32_2 = arith.constant 0 : i32
    return %arg0, %arg1, %c0_i32, %c0_i32_0, %c0_i32_1 : i32, i32, i32, i32, i32
  }
  func.func @transform_6(%arg0: i32, %arg1: i32, %arg2: memref<512xi32, #tpu.memory_space<smem>>, %arg3: memref<4x12xi32, #tpu.memory_space<smem>>, %arg4: memref<4x24xi32, #tpu.memory_space<smem>>, %arg5: memref<20xi32, #tpu.memory_space<smem>>) -> (i32, i32, i32, i32, i32) {
    %c0_i32 = arith.constant 0 : i32
    %c0_i32_0 = arith.constant 0 : i32
    %c0_i32_1 = arith.constant 0 : i32
    %c0_i32_2 = arith.constant 0 : i32
    return %arg0, %arg1, %c0_i32, %c0_i32_0, %c0_i32_1 : i32, i32, i32, i32, i32
  }
}

</mosaic_0001>

<sc_bundles>
// kernel: kernel.4.cloned.1.call-start
scs
__scs_entry_jumppad:
0x0: {  	(pc) =	sbr.rel $0x88, $3  }
0x1: {  	(tag) =	ssettag $0x0;
	lr =	simm.s32 $0x1  }
0x2: {  	[smem:$0x3F9C] =	sst lr;
	_ =	strace $0xD0000000  }
0x3: {  	_ = 	snop  }
0x4: {  	_ = 	snop  }
0x5: {  	_ = 	snop  }
0x6: {  	_ = 	snop  }
0x7: {  	_ = 	snop  }
__scs_overlays_trampoline_lowered:
0x8: {  	[smem:$0x3FAB] =	sst s0  }
0x9: {  	[smem:$0x3FAC] =	sst s1  }
0xa: {  	[smem:$0x3FAD] =	sst s2  }
0xb: {  	[smem:$0x3FAE] =	sst s3  }
0xc: {  	[smem:$0x3FAF] =	sst s4  }
0xd: {  	[smem:$0x3FB0] =	sst s5  }
0xe: {  	[smem:$0x3FB1] =	sst s6  }
0xf: {  	[smem:$0x3FB2] =	sst s7  }
0x10: {  	[smem:$0x3FB3] =	sst s8  }
0x11: {  	[smem:$0x3FB4] =	sst s9;
	s0 =	simm.s32 @!p0 $0x0  }
0x12: {  	s1 =	sld [smem:$0x3F9A];
	s0 =	simm.s32 @p0 $0x1  }
0x13: {  	[smem:$0x3FB5] =	sst s0;
	s0 =	simm.s32 @!p1 $0x0  }
0x14: {  	s2 =	sld [smem:$0x3F99];
	s0 =	simm.s32 @p1 $0x1  }
0x15: {  	[smem:$0x3FB6] =	sst s0;
	s0 =	simm.s32 @!p2 $0x0  }
0x16: {  	s3 =	sld [smem:$0x3FDB];
	s0 =	simm.s32 @p2 $0x1  }
0x17: {  	s4 =	simm.s32 $0x1BF5;
	[smem:$0x3FB8] =	sst s0  }
0x18: {  	s0 =	sld [smem:$0x3F9B];
	_ =	swait.ge [sflag:s4], $0x0  }
0x19: {  	s7 =	sld [smem:$0x3F9C]  }
0x1a: {  	s8 =	sadd.s32 $0xFFFFE003, lr  }
0x1b: {  	s9 =	sadd.s32 $0xFFFFFEF7, lr;
	s5 =	simm.s32 $0xFFFFFFFF;
	p2 =	slt.u32 s8, $0xFFFFF086  }
0x1c: {  	p1 =	slt.u32 s9, $0xF7A;
	s5 =	simm.s32 @!p2 $0x0  }
0x1d: {  	s5 =	simm.s32 @p1 $0x1;
	p0 =	seq.s32 s7, s2  }
0x1e: {  	s7 =	smul.u32 @!p0 $0xF7A, s2;
	p2 =	seq.s32 @!p0 s5, $0x0  }
0x1f: {  	s9 =	smul.u32 $0xF7A, s1;
	s8 =	simm.s32 @!p0 $0x1BF5;
	p2 =	por !p2, p0  }
0x20: {  	[sflag:s8] =	ssyncset.s32 @!p0 $0xFFFFF086;
	s6 =	sadd.s32 @!p0 s3, s7;
	s7 =	simm.s32 @!p0 $0x108  }
0x21: {  	s3 =	sadd.s32 s3, s9;
	s6 =	sadd.s32 @!p0 $0x88, s6;
	s7 =	simm.s32 @p2 $0x1082  }
0x22: {  	[simem:s7], [sflag:s8] =	dma.local @!p0 [hbm:s6], $0xF7A  }
0x23: {  	s9 =	sor.u32 $0xD0000000, s2;
	s6 =	simm.s32 $0x108;
	_ =	swait.ge @!p0 [sflag:s8], $0x0  }
0x24: {  	s3 =	sadd.s32 $0x88, s3;
	s6 =	simm.s32 @!p1 $0x1082;
	[sflag:s4] =	ssyncset.s32 $0xFFFFF086  }
0x25: {  	[simem:s6], [sflag:s4] =	dma.local [hbm:s3], $0xF7A  }
0x26: {  	[smem:$0x3F9C] =	sst s1;
	(tag) =	ssettag s2;
	_ =	strace s9  }
0x27: {  	s1 =	sld [smem:$0x3FAC]  }
0x28: {  	s2 =	sld [smem:$0x3FAD]  }
0x29: {  	s4 =	sld [smem:$0x3FAF]  }
0x2a: {  	p0 =	seq.s32 s5, $0x0;
	s5 =	sld [smem:$0x3FB0]  }
0x2b: {  	s6 =	sld [smem:$0x3FB1]  }
0x2c: {  	s7 =	sld [smem:$0x3FB2]  }
0x2d: {  	s3 =	simm.s32 $0x108;
	s8 =	sld [smem:$0x3FB3]  }
0x2e: {  	s3 =	simm.s32 @!p0 $0x1082;
	s9 =	sld [smem:$0x3FB4]  }
0x2f: {  	lr =	sadd.s32 s0, s3;
	s0 =	sld [smem:$0x3FAB]  }
0x30: {  	s3 =	sld [smem:$0x3FAE]  }
0x31: {  	[smem:$0x3FB7] =	sst s10  }
0x32: {  	s10 =	sld [smem:$0x3FB5];
	_ =	sdelay $0x3  }
0x33: {  	p0 =	seq.s32 s10, $0x1;
	s10 =	sld [smem:$0x3FB7];
	_ =	sdelay $0x3  }
0x34: {  	[smem:$0x3FB7] =	sst s10  }
0x35: {  	s10 =	sld [smem:$0x3FB6];
	_ =	sdelay $0x3  }
0x36: {  	p1 =	seq.s32 s10, $0x1;
	s10 =	sld [smem:$0x3FB7];
	_ =	sdelay $0x3  }
0x37: {  	[smem:$0x3FB7] =	sst s10  }
0x38: {  	s10 =	sld [smem:$0x3FB8]  }
0x39: {  	_ = 	snop;
	(pc) =	sbr.ind lr, $3  }
0x3a: {  	_ = 	snop  }
0x3b: {  	_ = 	snop  }
0x3c: {  	p2 =	seq.s32 s10, $0x1;
	s10 =	sld [smem:$0x3FB7]  }
0x3d: {  	_ =	shalt  }
0x3e: {  	_ =	shalt  }
0x3f: {  	_ =	shalt  }
0x40: {  	_ =	shalt  }
0x41: {  	_ =	shalt  }
0x42: {  	_ =	shalt  }
0x43: {  	_ =	shalt  }
0x44: {  	_ =	shalt  }
0x45: {  	_ =	shalt  }
0x46: {  	_ =	shalt  }
0x47: {  	_ =	shalt  }
0x48: {  	_ =	shalt  }
0x49: {  	_ =	shalt  }
0x4a: {  	_ =	shalt  }
0x4b: {  	_ =	shalt  }
0x4c: {  	_ =	shalt  }
0x4d: {  	_ =	shalt  }
0x4e: {  	_ =	shalt  }
0x4f: {  	_ =	shalt  }
0x50: {  	_ =	shalt  }
0x51: {  	_ =	shalt  }
0x52: {  	_ =	shalt  }
0x53: {  	_ =	shalt  }
0x54: {  	_ =	shalt  }
0x55: {  	_ =	shalt  }
0x56: {  	_ =	shalt  }
0x57: {  	_ =	shalt  }
0x58: {  	_ =	shalt  }
0x59: {  	_ =	shalt  }
0x5a: {  	_ =	shalt  }
0x5b: {  	_ =	shalt  }
0x5c: {  	_ =	shalt  }
0x5d: {  	_ =	shalt  }
0x5e: {  	_ =	shalt  }
0x5f: {  	_ =	shalt  }
0x60: {  	_ =	shalt  }
0x61: {  	_ =	shalt  }
0x62: {  	_ =	shalt  }
0x63: {  	_ =	shalt  }
0x64: {  	_ =	shalt  }
0x65: {  	_ =	shalt  }
0x66: {  	_ =	shalt  }
0x67: {  	_ =	shalt  }
0x68: {  	_ =	shalt  }
0x69: {  	_ =	shalt  }
0x6a: {  	_ =	shalt  }
0x6b: {  	_ =	shalt  }
0x6c: {  	_ =	shalt  }
0x6d: {  	_ =	shalt  }
0x6e: {  	_ =	shalt  }
0x6f: {  	_ =	shalt  }
0x70: {  	_ =	shalt  }
0x71: {  	_ =	shalt  }
0x72: {  	_ =	shalt  }
0x73: {  	_ =	shalt  }
0x74: {  	_ =	shalt  }
0x75: {  	_ =	shalt  }
0x76: {  	_ =	shalt  }
0x77: {  	_ =	shalt  }
0x78: {  	_ =	shalt  }
0x79: {  	_ =	shalt  }
0x7a: {  	_ =	shalt  }
0x7b: {  	_ =	shalt  }
0x7c: {  	_ =	shalt  }
0x7d: {  	_ =	shalt  }
0x7e: {  	_ =	shalt  }
0x7f: {  	_ =	shalt  }
0x80: {  	_ =	shalt  }
0x81: {  	_ =	shalt  }
0x82: {  	_ =	shalt  }
0x83: {  	_ =	shalt  }
0x84: {  	_ =	shalt  }
0x85: {  	_ =	shalt  }
0x86: {  	_ =	shalt  }
0x87: {  	_ =	shalt  }
.Lfunc_end0:
.L_simem_size_0:
called_computation_lowered:
.L_overlay_start_0:
0x88: {  	s2 =	sld [smem:$0x3FD9]  }
0x89: {  	s3 =	sld [smem:$0x3FFE];
	_ =	sdelay $0x1  }
0x8a: {  	s1 =	srdreg.scid  }
0x8b: {  	s0 =	sand.u32 $0x1, s1  }
0x8c: {  	s15 =	sshll.u32 s0, $0xA;
	s2 =	sadd.s32 s3, s2  }
0x8d: {  	s2 =	sadd.s32 s2, s15  }
0x8e: {  	[smem:$0x3FC3] =	sst s2  }
0x8f: {  	_ = 	snop  }
0x90: {  	s2 =	sld [smem:$0x3FD0];
	_ =	sdelay $0x2  }
0x91: {  	s16 =	simm.s32 $0xA;
	s4 =	simm.s32 $0x10  }
0x92: {  	[smem:s4], [sflag:s16] =	dma.local [hbm:s2], $0x1  }
0x93: {  	_ =	swait.eq [sflag:s16], $0x1  }
0x94: {  	[sflag:s16] =	ssyncset.done $0x0  }
0x95: {  	s17 =	sld [smem:$0x10];
	[sflag:s16] =	ssyncadd.s32 $0xFFFFFFFF  }
0x96: {  	s18 =	sld [smem:$0x11];
	(tm) =	ssettm $0x1  }
0x97: {  	s19 =	sld [smem:$0x3FFB];
	_ =	sdelay $0x3  }
0x98: {  	_ =	strace s19  }
0x99: {  	s4 =	sld [smem:$0x3FFC];
	_ =	sdelay $0x3  }
0x9a: {  	_ =	strace s4  }
0x9b: {  	s4 =	sld [smem:$0x3FFD];
	_ =	sdelay $0x3  }
0x9c: {  	_ =	strace s4  }
0x9d: {  	_ =	strace $0x8FFFFFFF  }
0x9e: {  	s20 =	sld [smem:$0x3FDB];
	_ =	sdelay $0x1  }
0x9f: {  	s5 =	simm.s32 $_scs_section_size  }
0xa0: {  	s6 =	simm.s32 $_size__tile_overlayer_lowered;
	s7 =	simm.s32 $_tile_overlayer_lowered  }
0xa1: {  	s23 =	simm.s32 $0x1BFF;
	s22 =	sshll.u32 s7, $0x1;
	s4 =	sadd.s32 s5, s20  }
0xa2: {  	s8 =	simm.s32 $0x0;
	s21 =	sshll.u32 s6, $0x1;
	s6 =	sadd.s32 s22, s4  }
0xa3: {  	[timem:s8], [sflag:s23] =	dma.local [hbm:s6], s21  }
0xa4: {  	_ =	swait.ge [sflag:s23], s21  }
0xa5: {  	s5 =	ssub.s32 $0x0, s21;
	[sflag:s23] =	ssyncset.done $0x0  }
0xa6: {  	[sflag:s23] =	ssyncadd.s32 s5;
	_ =	sdelay $0x1  }
0xa7: {  	s24 =	simm.s32 $0x1B8B  }
0xa8: {  	_ =	swait.ge [sflag:s24], $0x1  }
0xa9: {  	[sflag:s24] =	ssyncset.done $0x0  }
0xaa: {  	s25 =	simm.s32 $0x1B8E;
	[sflag:s24] =	ssyncadd.s32 $0xFFFFFFFF  }
0xab: {  	s26 =	simm.s32 $execute0_lowered;
	[smem:$0x3FD2] =	sst s25  }
0xac: {  	s5 =	sshll.u32 s26, $0x1;
	_ =	strace $0x80000046;
	[dreg:$0x1] =	wrdreg $0xFFFFFFFF  }
0xad: {  	s28 =	simm.s32 $_size_execute0_lowered;
	s4 =	sadd.s32 s4, s5;
	[dreg:$0x0] =	wrdreg $0x0  }
0xae: {  	s5 =	sshll.u32 s28, $0x1;
	[dreg:$0x2] =	wrdreg s4  }
0xaf: {  	[dreg:$0x3] =	wrdreg s5  }
0xb0: {  	[dreg:$0x4] =	wrdreg $0xC0  }
0xb1: {  	_ =	task [dreg:s8], $0x5FFFF  }
0xb2: {  	[dreg:$0x1] =	wrdreg $0xFFFFFFFF  }
0xb3: {  	[dreg:$0x0] =	wrdreg $0x60  }
0xb4: {  	[dreg:$0x2] =	wrdreg s17  }
0xb5: {  	[dreg:$0x3] =	wrdreg s18  }
0xb6: {  	[dreg:$0x4] =	wrdreg $0x9  }
0xb7: {  	_ =	task.clear_ibuf [dreg:s8], $0x5FFFF;
	_ =	strace $0x90000046  }
0xb8: {  	s29 =	simm.s32 $0x9;
	_ =	strace $0x80000048  }
0xb9: {  	_ =	swait.ge [sflag:s29], $0x1  }
0xba: {  	[sflag:s29] =	ssyncadd.s32 $0xFFFFFFFF  }
0xbb: {  	_ =	strace $0x90000048  }
0xbc: {  	_ =	sfence  }
0xbd: {  	s30 =	sld [smem:$0x0];
	_ =	sdelay $0x2  }
0xbe: {  	s31 =	sshll.u32 s1, $0xD;
	s1 =	sshrl.u32 s1, $0x2  }
0xbf: {  	s3 =	sand.u32 $0x4000, s31;
	s1 =	sadd.s32 s1, s30  }
0xc0: {  	s0 =	sor.u32 s3, s0;
	s1 =	sshll.u32 s1, $0x11  }
0xc1: {  	s0 =	sor.u32 s1, s0  }
0xc2: {  	s0 =	sadd.s32 $0x8F2B, s0  }
0xc3: {  	[sflag:s0] =	ssyncadd.remote.s32 $0x1  }
0xc4: {  	_ =	sfence.sel $0xFFFF  }
0xc5: {  	[dreg:$0x0] =	wrdreg $0xFFFFFFFF;
	(pc) =	sbr.abs _section_cstart, $3  }
0xc6: {  	[dreg:$0x1] =	wrdreg $0xFFFFFFFF  }
0xc7: {  	_ =	task.clear_ibuf [dreg:s8], $0x2FFFF;
	_ =	strace $0x9FFFFFFF  }
0xc8: {  	(tm) =	ssettm $0x7FFFFFFF  }
0xc9: {  	_ =	shalt  }
tec
execute0_lowered:
.L_overlay_start_1:
0x0: {  	(tag) =	ssettag $0x1  }
0x1: {  	s6 =	rddreg [dreg:$0x0]  }
0x2: {  	s7 =	rddreg [dreg:$0x1]  }
0x3: {  	s0 =	rddreg [dreg:$0x2]  }
0x4: {  	s3 =	srdreg.scid;
	s1 =	stileid.u32;
	s2 =	simm.s32 $0x0  }
0x5: {  	s11 =	simm.s32 $0x2;
	s12 =	simm.s32 $0x100;
	s13 =	simm.s32 $0x3  }
0x6: {  	s3 =	sand.u32 $0x1, s3;
	s4 =	sshll.u32 s1, $0x1;
	[smem:$0x7FF] =	sst s2  }
0x7: {  	s14 =	sand.u32 $0xE, s1;
	p0 =	sgt.u32 s1, $0x1;
	s5 =	ssub.s32 $0x2, s3  }
0x8: {  	s8 =	sor.u32 s3, s4;
	_ =	strace $0x80000047;
	p1 =	sne.s32 s14, $0x4  }
0x9: {  	v0 =	vimm.s32 $0x0;
	s28 =	sshrl.u32 s5, $0x1;
	s4 =	sshll.u32 s8, $0x1;
	s10 =	sadd.s32 $0xFFFFFFF8, s8  }
.Ltmp0:
0xa: {  	v1 =	vimm.s32 $0x1;
	v2 =	vimm.s32 $0x2;
	v3 =	vimm.s32 $0x3;
	s29 =	sshll.u32 s8, $0x4;
	s9 =	ssub.s32 s5, s28;
	(pc) =	sbr.rel .LBB2_1-.Ltmp0, $4  }
0xb: {  	v4 =	vimm.s32 $0x4;
	v5 =	vimm.s32 $0x5;
	v6 =	vimm.s32 $0x6;
	s3 =	sadd.s32 s6, s4;
	s4 =	sadd.s32 $0x18, s6;
	s30 =	sshll.u32 s10, $0x2  }
0xc: {  	v7 =	vimm.s32 $0x7;
	v8 =	vimm.s32 $0x8;
	v9 =	vimm.s32 $0x9;
	s5 =	sadd.s32 s7, s29;
	s31 =	sshll.u32 s10, $0x4;
	s10 =	simm.s32 $0x1  }
0xd: {  	v10 =	vimm.s32 $0xA;
	v11 =	vimm.s32 $0xB;
	v12 =	vimm.s32 $0xC;
	s6 =	sadd.s32 s30, s6;
	s7 =	sadd.s32 s31, s7;
	s8 =	smax.u32 s9, $0x1  }
0xe: {  	v13 =	vimm.s32 $0xD;
	v14 =	vimm.s32 $0xE;
	v15 =	vimm.s32 $0xF;
	s9 =	simm.s32 $0x80;
	s6 =	sadd.s32 $0x8, s6;
	s7 =	sadd.s32 $0x8, s7  }
.LBB2_5:
0xf: {  	s8 =	sadd.s32 $0xFFFFFFFF, s8  }
0x10: {  	p2 =	sne.s32 s8, $0x0  }
.Ltmp1:
0x11: {  	_ = 	snop;
	(pc) =	sbr.rel @!p2 .LBB2_6-.Ltmp1, $1  }
0x12: {  	_ =	sdelay $0x3  }
.LBB2_1:
.Ltmp2:
0x13: {  	(pc) =	sbr.rel @p0 .LBB2_3-.Ltmp2, $1  }
0x14: {  	_ =	sdelay $0x3  }
0x15: {  	[tilespmem:s2], [sflag:$0x1] =	stream.linear.gather [hbm4b:s3+s2], $0x10, $0x38;
	[tilespmem:$0x180] =	vst v63  }
0x16: {  	_ = 	snop  }
0x17: {  	[tilespmem:s9], [sflag:$0x2] =	stream.linear.gather [hbm4b:s4+s2], $0x20, $0x38;
	[tilespmem:$0x180] =	vst v63  }
0x18: {  	_ =	swait.ge [sflag:s10], $0x10  }
0x19: {  	[sflag:s10] =	ssyncset.done $0x0  }
0x1a: {  	[sflag:s10] =	ssyncadd.s32 $0xFFFFFFF0  }
0x1b: {  	_ =	swait.ge [sflag:s11], $0x20  }
0x1c: {  	[sflag:s11] =	ssyncset.done $0x0  }
0x1d: {  	[sflag:s11] =	ssyncadd.s32 $0xFFFFFFE0  }
0x1e: {  	v16 =	vld [tilespmem:$0x0];
	_ =	sdelay $0x4  }
0x1f: {  	v36 =	vld [tilespmem:$0x0];
	v18 =	vperm.xlane v16, v0;
	v19 =	vperm.xlane v16, v1  }
0x20: {  	v30 =	vperm.xlane v16, v2;
	v31 =	vperm.xlane v16, v3  }
0x21: {  	v21 =	vperm.xlane v16, v4;
	v33 =	vperm.xlane v16, v5  }
0x22: {  	v35 =	vperm.xlane v16, v6;
	v37 =	vperm.xlane v16, v7  }
0x23: {  	v22 =	vperm.xlane v16, v8;
	v39 =	vperm.xlane v16, v9  }
0x24: {  	v40 =	vperm.xlane v16, v10;
	v41 =	vperm.xlane v36, v0  }
0x25: {  	v17 =	vld [tilespmem:$0x80];
	v42 =	vperm.xlane v36, v1;
	v43 =	vperm.xlane v36, v2  }
0x26: {  	v44 =	vperm.xlane v36, v3;
	v16 =	vperm.xlane v16, v11  }
0x27: {  	v46 =	vperm.xlane v36, v4;
	v47 =	vperm.xlane v36, v5  }
0x28: {  	v49 =	vperm.xlane v36, v6;
	v51 =	vperm.xlane v36, v7  }
0x29: {  	v23 =	vld [tilespmem:$0x90];
	v53 =	vperm.xlane v36, v8;
	v55 =	vperm.xlane v36, v9  }
0x2a: {  	v56 =	vperm.xlane v36, v10;
	vm0 =	vlt.s32 v18, v17;
	vm15 =	vlt.s32 v19, v17  }
0x2b: {  	vm4 =	vlt.s32 v30, v17;
	vm5 =	vlt.s32 v31, v17;
	vm6 =	vlt.s32 v21, v17  }
0x2c: {  	vm7 =	vlt.s32 v33, v17;
	vm8 =	vlt.s32 v35, v17;
	vm9 =	vlt.s32 v37, v17  }
0x2d: {  	vm10 =	vlt.s32 v22, v17;
	vm11 =	vlt.s32 v39, v17;
	vm12 =	vlt.s32 v40, v17  }
0x2e: {  	vm13 =	vlt.s32 v41, v23;
	vm14 =	vlt.s32 v42, v23;
	v20 =	vsel vm0, $0x1, v0  }
0x2f: {  	v19 =	vsel vm15, $0x1, v0;
	v32 =	vsel vm4, $0x1, v0;
	v18 =	vsel vm5, $0x1, v0  }
0x30: {  	v34 =	vsel vm6, $0x1, v0;
	v38 =	vsel vm8, $0x1, v0;
	v21 =	vsel vm9, $0x1, v0  }
0x31: {  	v24 =	vsel vm10, $0x1, v0;
	v25 =	vsel vm11, $0x1, v0;
	v26 =	vsel vm12, $0x1, v0  }
0x32: {  	v27 =	vsel vm13, $0x1, v0;
	v28 =	vsel vm14, $0x1, v0;
	vm15 =	vlt.s32 v43, v23  }
0x33: {  	vm4 =	vlt.s32 v44, v23;
	vm5 =	vlt.s32 v16, v17;
	v19 =	vadd.s32 v20, v19  }
0x34: {  	vm6 =	vlt.s32 v46, v23;
	vm8 =	vlt.s32 v49, v23;
	v19 =	vadd.s32 v32, v19  }
0x35: {  	vm9 =	vlt.s32 v51, v23;
	vm10 =	vlt.s32 v53, v23;
	v18 =	vadd.s32 v18, v19  }
0x36: {  	vm11 =	vlt.s32 v55, v23;
	v20 =	vsel vm7, $0x1, v0;
	v18 =	vadd.s32 v34, v18  }
0x37: {  	vm12 =	vlt.s32 v56, v23;
	v45 =	vsel vm4, $0x1, v0;
	v18 =	vadd.s32 v20, v18  }
0x38: {  	v17 =	vadd.s32 v27, v28;
	v20 =	vsel vm15, $0x1, v0;
	v18 =	vadd.s32 v38, v18  }
0x39: {  	vm7 =	vlt.s32 v47, v23;
	v17 =	vadd.s32 v20, v17;
	v18 =	vadd.s32 v21, v18  }
0x3a: {  	v17 =	vadd.s32 v45, v17;
	v16 =	vadd.s32 v24, v18;
	v18 =	vsel vm6, $0x1, v0  }
0x3b: {  	v48 =	vsel vm5, $0x1, v0;
	v50 =	vsel vm7, $0x1, v0;
	v17 =	vadd.s32 v18, v17  }
0x3c: {  	v52 =	vsel vm8, $0x1, v0;
	v54 =	vsel vm9, $0x1, v0;
	v17 =	vadd.s32 v50, v17  }
0x3d: {  	v57 =	vsel vm11, $0x1, v0;
	v19 =	vperm.xlane v36, v11;
	v17 =	vadd.s32 v52, v17  }
0x3e: {  	v20 =	vsel vm10, $0x1, v0;
	v16 =	vadd.s32 v25, v16;
	v17 =	vadd.s32 v54, v17  }
0x3f: {  	vm13 =	vlt.s32 v19, v23;
	v16 =	vadd.s32 v26, v16;
	v17 =	vadd.s32 v20, v17  }
0x40: {  	v18 =	vsel vm12, $0x1, v0;
	v16 =	vadd.s32 v48, v16;
	v17 =	vadd.s32 v57, v17  }
0x41: {  	v58 =	vsel vm13, $0x1, v0;
	v16 =	vmax.u32 v16, $0x1;
	v17 =	vadd.s32 v18, v17  }
0x42: {  	v16 =	vmin.u32 v16, $0xB;
	v17 =	vadd.s32 v58, v17  }
0x43: {  	v59 =	vadd.s32 $0xFFFFFFFF, v16;
	v17 =	vmax.u32 v17, $0x1  }
0x44: {  	v60 =	vand.u32 $0x1, v59;
	v17 =	vmin.u32 v17, $0xB  }
0x45: {  	vm14 =	veq.s32 v60, $0x0;
	v61 =	vadd.s32 $0xFFFFFFFF, v17  }
0x46: {  	v62 =	vsel vm14, v59, v16;
	v16 =	vadd.s32 v16, v59;
	v63 =	vand.u32 $0x1, v61  }
0x47: {  	[tilespmem:$0x100] =	vst v62;
	v16 =	vsub.s32 v16, v62;
	vm15 =	veq.s32 v63, $0x0  }
0x48: {  	[tilespmem:$0x120] =	vst v16;
	v16 =	vsel vm15, v61, v17;
	v17 =	vadd.s32 v17, v61  }
0x49: {  	[tilespmem:$0x110] =	vst v16;
	v16 =	vsub.s32 v17, v16  }
0x4a: {  	[tilespmem:$0x130] =	vst v16  }
0x4b: {  	[hbm4b:s5+s2] =	stream.linear.scatter [tilespmem:s12], [sflag:$0x3], $0x40, $0x38;
	[tilespmem:$0x180] =	vst v63  }
0x4c: {  	_ =	swait.ge [sflag:s13], $0x40  }
0x4d: {  	[sflag:s13] =	ssyncset.done $0x0  }
0x4e: {  	[sflag:s13] =	ssyncadd.s32 $0xFFFFFFC0  }
.LBB2_3:
.Ltmp3:
0x4f: {  	(pc) =	sbr.rel @p1 .LBB2_5-.Ltmp3, $1  }
0x50: {  	_ =	sdelay $0x3  }
0x51: {  	[tilespmem:s2], [sflag:$0x1] =	stream.linear.gather [hbm4b:s6+s2], $0x20, $0x38;
	[tilespmem:$0x180] =	vst v63  }
0x52: {  	_ = 	snop  }
0x53: {  	[tilespmem:s9], [sflag:$0x2] =	stream.linear.gather [hbm4b:s4+s2], $0x20, $0x38;
	[tilespmem:$0x180] =	vst v63  }
0x54: {  	_ =	swait.ge [sflag:s10], $0x20  }
0x55: {  	[sflag:s10] =	ssyncset.done $0x0  }
0x56: {  	[sflag:s10] =	ssyncadd.s32 $0xFFFFFFE0  }
0x57: {  	_ =	swait.ge [sflag:s11], $0x20  }
0x58: {  	[sflag:s11] =	ssyncset.done $0x0  }
0x59: {  	[sflag:s11] =	ssyncadd.s32 $0xFFFFFFE0  }
0x5a: {  	v17 =	vld [tilespmem:$0x0];
	_ =	sdelay $0x4  }
0x5b: {  	v18 =	vperm.xlane v17, v0;
	v19 =	vperm.xlane v17, v1  }
0x5c: {  	v62 =	vperm.xlane v17, v2;
	v63 =	vperm.xlane v17, v3  }
0x5d: {  	v21 =	vperm.xlane v17, v4;
	v25 =	vperm.xlane v17, v5  }
0x5e: {  	v48 =	vld [tilespmem:$0x0];
	v27 =	vperm.xlane v17, v6;
	v29 =	vperm.xlane v17, v7  }
0x5f: {  	v31 =	vperm.xlane v17, v8;
	v33 =	vperm.xlane v17, v9  }
0x60: {  	v35 =	vperm.xlane v17, v10;
	v37 =	vperm.xlane v17, v11  }
0x61: {  	v16 =	vld [tilespmem:$0x80];
	v39 =	vperm.xlane v17, v12;
	v40 =	vperm.xlane v17, v13  }
0x62: {  	v22 =	vperm.xlane v17, v14;
	v17 =	vperm.xlane v17, v15  }
0x63: {  	v53 =	vperm.xlane v48, v0;
	v54 =	vperm.xlane v48, v1  }
0x64: {  	v55 =	vperm.xlane v48, v2;
	v56 =	vperm.xlane v48, v3  }
0x65: {  	v58 =	vperm.xlane v48, v5;
	v60 =	vperm.xlane v48, v6  }
0x66: {  	v61 =	vperm.xlane v48, v7;
	vm0 =	vlt.s32 v18, v16;
	vm15 =	vlt.s32 v19, v16  }
0x67: {  	vm4 =	vlt.s32 v62, v16;
	vm5 =	vlt.s32 v63, v16;
	vm6 =	vlt.s32 v21, v16  }
0x68: {  	vm7 =	vlt.s32 v25, v16;
	vm8 =	vlt.s32 v27, v16;
	vm9 =	vlt.s32 v29, v16  }
0x69: {  	vm10 =	vlt.s32 v31, v16;
	vm11 =	vlt.s32 v33, v16;
	vm12 =	vlt.s32 v35, v16  }
0x6a: {  	vm13 =	vlt.s32 v37, v16;
	v63 =	vperm.xlane v48, v8;
	v35 =	vperm.xlane v48, v10  }
0x6b: {  	vm14 =	vlt.s32 v39, v16;
	v37 =	vperm.xlane v48, v11;
	v39 =	vperm.xlane v48, v13  }
0x6c: {  	v20 =	vsel vm0, $0x1, v0;
	v19 =	vsel vm15, $0x1, v0;
	v24 =	vsel vm4, $0x1, v0  }
0x6d: {  	v18 =	vsel vm5, $0x1, v0;
	v26 =	vsel vm6, $0x1, v0;
	v28 =	vsel vm7, $0x1, v0  }
0x6e: {  	v30 =	vsel vm8, $0x1, v0;
	v32 =	vsel vm9, $0x1, v0;
	v34 =	vsel vm10, $0x1, v0  }
0x6f: {  	v21 =	vld [tilespmem:$0x90];
	v36 =	vsel vm11, $0x1, v0;
	v38 =	vsel vm12, $0x1, v0;
	v41 =	vsel vm14, $0x1, v0  }
0x70: {  	vm15 =	vlt.s32 v40, v16;
	vm4 =	vlt.s32 v22, v16;
	v19 =	vadd.s32 v20, v19  }
0x71: {  	vm5 =	vlt.s32 v17, v16;
	v22 =	vperm.xlane v48, v15;
	v19 =	vadd.s32 v24, v19  }
0x72: {  	v20 =	vsel vm13, $0x1, v0;
	v42 =	vsel vm15, $0x1, v0;
	v18 =	vadd.s32 v18, v19  }
0x73: {  	v43 =	vsel vm4, $0x1, v0;
	v17 =	vsel vm5, $0x1, v0;
	v18 =	vadd.s32 v26, v18  }
0x74: {  	v19 =	vld [tilespmem:$0x10];
	vm12 =	vlt.s32 v53, v21;
	vm13 =	vlt.s32 v54, v21;
	vm14 =	vlt.s32 v55, v21  }
0x75: {  	vm15 =	vlt.s32 v56, v21;
	vm5 =	vlt.s32 v58, v21;
	v18 =	vadd.s32 v28, v18  }
0x76: {  	v27 =	vsel vm12, $0x1, v0;
	v57 =	vsel vm14, $0x1, v0;
	v28 =	vperm.xlane v48, v4  }
0x77: {  	v59 =	vsel vm15, $0x1, v0;
	v62 =	vsel vm5, $0x1, v0;
	vm12 =	vlt.s32 v37, v21  }
0x78: {  	vm14 =	vlt.s32 v39, v21;
	v18 =	vadd.s32 v30, v18;
	v40 =	vsel vm12, $0x1, v0  }
0x79: {  	v18 =	vadd.s32 v32, v18;
	v32 =	vperm.xlane v48, v9;
	v44 =	vperm.xlane v19, v0  }
0x7a: {  	vm4 =	vlt.s32 v28, v21;
	v45 =	vperm.xlane v19, v1;
	v47 =	vperm.xlane v19, v2  }
0x7b: {  	v18 =	vadd.s32 v34, v18;
	v50 =	vperm.xlane v19, v3;
	v23 =	vperm.xlane v19, v4  }
0x7c: {  	v52 =	vperm.xlane v19, v5;
	v26 =	vperm.xlane v19, v6;
	v29 =	vsel vm4, $0x1, v0  }
0x7d: {  	vm4 =	vlt.s32 v22, v21;
	v19 =	vperm.xlane v19, v7;
	v18 =	vadd.s32 v36, v18  }
0x7e: {  	v18 =	vadd.s32 v38, v18;
	vm6 =	vlt.s32 v44, v16;
	vm7 =	vlt.s32 v45, v16  }
0x7f: {  	vm8 =	vlt.s32 v47, v16;
	vm9 =	vlt.s32 v50, v16;
	vm10 =	vlt.s32 v23, v16  }
0x80: {  	vm11 =	vlt.s32 v52, v16;
	v38 =	vperm.xlane v48, v12;
	v44 =	vsel vm4, $0x1, v0  }
0x81: {  	vm5 =	vlt.s32 v19, v16;
	v18 =	vadd.s32 v20, v18;
	v46 =	vsel vm6, $0x1, v0  }
0x82: {  	v49 =	vsel vm7, $0x1, v0;
	v51 =	vsel vm8, $0x1, v0;
	v20 =	vsel vm9, $0x1, v0  }
0x83: {  	v24 =	vsel vm10, $0x1, v0;
	v25 =	vsel vm11, $0x1, v0;
	vm6 =	vlt.s32 v60, v21  }
0x84: {  	vm7 =	vlt.s32 v61, v21;
	vm8 =	vlt.s32 v26, v16;
	v18 =	vadd.s32 v41, v18  }
0x85: {  	vm9 =	vlt.s32 v63, v21;
	vm10 =	vlt.s32 v32, v21;
	v18 =	vadd.s32 v42, v18  }
0x86: {  	vm11 =	vlt.s32 v35, v21;
	v47 =	vsel vm5, $0x1, v0;
	v18 =	vadd.s32 v43, v18  }
0x87: {  	v28 =	vsel vm6, $0x1, v0;
	v17 =	vadd.s32 v17, v18;
	v18 =	vsel vm13, $0x1, v0  }
0x88: {  	v23 =	vsel vm7, $0x1, v0;
	v33 =	vsel vm8, $0x1, v0;
	v18 =	vadd.s32 v27, v18  }
0x89: {  	v34 =	vsel vm9, $0x1, v0;
	v41 =	vperm.xlane v48, v14;
	v42 =	vld [tilespmem:$0x10];
	v18 =	vadd.s32 v57, v18  }
0x8a: {  	v36 =	vsel vm10, $0x1, v0;
	v26 =	vsel vm11, $0x1, v0;
	v18 =	vadd.s32 v59, v18  }
0x8b: {  	v43 =	vsel vm14, $0x1, v0;
	vm15 =	vlt.s32 v41, v21;
	v18 =	vadd.s32 v29, v18  }
0x8c: {  	vm13 =	vlt.s32 v38, v21;
	v17 =	vadd.s32 v46, v17;
	v18 =	vadd.s32 v62, v18  }
0x8d: {  	v30 =	vsel vm13, $0x1, v0;
	v17 =	vadd.s32 v49, v17;
	v18 =	vadd.s32 v28, v18  }
0x8e: {  	v17 =	vadd.s32 v51, v17;
	v45 =	vperm.xlane v42, v0;
	v18 =	vadd.s32 v23, v18  }
0x8f: {  	v46 =	vperm.xlane v42, v1;
	v48 =	vperm.xlane v42, v2;
	v18 =	vadd.s32 v34, v18  }
0x90: {  	v50 =	vperm.xlane v42, v3;
	v52 =	vperm.xlane v42, v4;
	v18 =	vadd.s32 v36, v18  }
0x91: {  	v54 =	vperm.xlane v42, v5;
	v55 =	vperm.xlane v42, v6;
	v18 =	vadd.s32 v26, v18  }
0x92: {  	v56 =	vperm.xlane v42, v7;
	v17 =	vadd.s32 v20, v17;
	v18 =	vadd.s32 v40, v18  }
0x93: {  	v16 =	vadd.s32 v24, v17;
	vm6 =	vlt.s32 v45, v21;
	v17 =	vadd.s32 v30, v18  }
0x94: {  	vm7 =	vlt.s32 v46, v21;
	v23 =	vsel vm15, $0x1, v0;
	v17 =	vadd.s32 v43, v17  }
0x95: {  	vm8 =	vlt.s32 v48, v21;
	vm9 =	vlt.s32 v50, v21;
	v17 =	vadd.s32 v23, v17  }
0x96: {  	vm10 =	vlt.s32 v52, v21;
	v18 =	vsel vm6, $0x1, v0;
	v17 =	vadd.s32 v44, v17  }
0x97: {  	vm11 =	vlt.s32 v54, v21;
	v49 =	vsel vm7, $0x1, v0;
	v17 =	vadd.s32 v18, v17  }
0x98: {  	vm12 =	vlt.s32 v55, v21;
	v51 =	vsel vm8, $0x1, v0;
	v17 =	vadd.s32 v49, v17  }
0x99: {  	vm13 =	vlt.s32 v56, v21;
	v53 =	vsel vm9, $0x1, v0;
	v17 =	vadd.s32 v51, v17  }
0x9a: {  	v16 =	vadd.s32 v25, v16;
	v19 =	vsel vm10, $0x1, v0;
	v17 =	vadd.s32 v53, v17  }
0x9b: {  	v57 =	vsel vm11, $0x1, v0;
	v16 =	vadd.s32 v33, v16;
	v17 =	vadd.s32 v19, v17  }
0x9c: {  	v16 =	vadd.s32 v47, v16;
	v18 =	vsel vm12, $0x1, v0;
	v17 =	vadd.s32 v57, v17  }
0x9d: {  	v58 =	vsel vm13, $0x1, v0;
	v16 =	vmax.u32 v16, $0x1;
	v17 =	vadd.s32 v18, v17  }
0x9e: {  	v16 =	vmin.u32 v16, $0x17;
	v17 =	vadd.s32 v58, v17  }
0x9f: {  	v59 =	vadd.s32 $0xFFFFFFFF, v16;
	v17 =	vmax.u32 v17, $0x1  }
0xa0: {  	v60 =	vand.u32 $0x1, v59;
	v17 =	vmin.u32 v17, $0x17  }
0xa1: {  	vm14 =	veq.s32 v60, $0x0;
	v61 =	vadd.s32 $0xFFFFFFFF, v17  }
0xa2: {  	v62 =	vsel vm14, v59, v16;
	v16 =	vadd.s32 v16, v59;
	v63 =	vand.u32 $0x1, v61  }
0xa3: {  	[tilespmem:$0x100] =	vst v62;
	v16 =	vsub.s32 v16, v62;
	vm15 =	veq.s32 v63, $0x0  }
0xa4: {  	[tilespmem:$0x120] =	vst v16;
	v16 =	vsel vm15, v61, v17;
	v17 =	vadd.s32 v17, v61  }
0xa5: {  	[tilespmem:$0x110] =	vst v16;
	v16 =	vsub.s32 v17, v16  }
.Ltmp4:
0xa6: {  	[tilespmem:$0x130] =	vst v16;
	(pc) =	sbr.rel .LBB2_5-.Ltmp4, $4  }
0xa7: {  	[hbm4b:s7+s2] =	stream.linear.scatter [tilespmem:s12], [sflag:$0x3], $0x40, $0x38;
	[tilespmem:$0x180] =	vst v63  }
0xa8: {  	_ =	swait.ge [sflag:s13], $0x40  }
0xa9: {  	[sflag:s13] =	ssyncset.done $0x0  }
0xaa: {  	[sflag:s13] =	ssyncadd.s32 $0xFFFFFFC0  }
.LBB2_6:
0xab: {  	_ =	sfence.sel $0x180000  }
0xac: {  	[bflag:$0x0] =	sbarrier.arrive $0xFFFF  }
0xad: {  	p0 =	sne.s32 s1, $0x0;
	_ =	strace $0x90000047  }
0xae: {  	s0 =	sadd.s32 @!p0 $0x100000, s0;
	[bflag:$0x2] =	sbarrier.arrive $0xFFFF  }
0xaf: {  	[sflag:s0] =	ssyncadd.tile.s32 @!p0 $0x1;
	_ =	shalt  }
.Lfunc_end2:
_tile_overlayer_lowered:
.L_overlay_start_2:
0xb0: {  	(tag) =	ssettag $0x2  }
0xb1: {  	s0 =	rddreg [dreg:$0x0];
	s2 =	stileid.u32  }
0xb2: {  	s1 =	rddreg [dreg:$0x1];
	p0 =	sne.s32 s2, $0x0  }
0xb3: {  	s3 =	rddreg [dreg:$0x2];
	[bflag:$0x3] =	sbarrier.arrive $0xFFFF;
	s2 =	simm.s32 @!p0 $0x1C03  }
0xb4: {  	[timem:s3], [sflag:s2] =	dma.local @!p0 [hbm:s0], s1  }
0xb5: {  	s0 =	simm.s32 @!p0 $0x3  }
0xb6: {  	_ =	swait.ge @!p0 [sflag:s0], s1  }
0xb7: {  	s1 =	ssub.s32 @!p0 $0x0, s1;
	[sflag:s0] =	ssyncset.done @!p0 $0x0  }
0xb8: {  	[sflag:s0] =	ssyncadd.s32 @!p0 s1  }
0xb9: {  	[bflag:$0x3] =	sbarrier.arrive $0xFFFF  }
0xba: {  	_ =	shalt  }

</sc_bundles>
